<compile_context>
chip_gen: v7x
topology: tpu7x:2x2x1
jax: 0.10.2.dev20260603
libtpu: 0.0.44.dev20260713+nightly
codegen_flags: <defaults>
</compile_context>

<pallas_src>
import dataclasses
import functools

import jax
import jax.numpy as jnp
from jax import lax
from jax.experimental import pallas as pl
from jax.experimental.pallas import tpu as pltpu
from jax.experimental.pallas import tpu_sc as plsc

NN = 10000
EE = 320000
F = 128
NEG_SLOPE = 0.2

NC = 2
NS = 16
NW = NC * NS
EPT = EE // NW
KB = 80
NB = EPT // KB
CH = 25
DW = 16
NP = 10240
RPT = NP // NS


def _prep_body(x_ref, w_ref, as_ref, ad_ref, xp_ref, av_ref, bv_ref, c_ref):
    xp = jnp.dot(x_ref[...], w_ref[...], preferred_element_type=jnp.float32)
    xp_ref[...] = xp
    a = jnp.sum(xp * as_ref[...], axis=1, keepdims=True)
    b = jnp.sum(xp * ad_ref[...], axis=1, keepdims=True)
    av_ref[...] = a
    bv_ref[...] = b
    c_ref[...] = jnp.broadcast_to(jnp.max(a) + jnp.max(b), (1, 1))


def _edge_body(src_hbm, dst_hbm, xp_hbm, pa_hbm, c_hbm,
               outf_hbm, outd_hbm,
               pa_v, c_v, si_c, di_c, bufa_v, bufb_v, den_v, w_v, di_row,
               accf_sh, accd_sh, sema, semb):
    cid = lax.axis_index("c")
    sid = lax.axis_index("s")
    wid = sid * NC + cid

    pltpu.sync_copy(pa_hbm, pa_v)
    pltpu.sync_copy(c_hbm, c_v)

    zero16 = jnp.zeros((16,), jnp.float32)

    @pl.loop(0, KB)
    def _(r):
        for c0 in range(F // 16):
            bufa_v[r, pl.ds(c0 * 16, 16)] = zero16
        den_v[r, pl.ds(0, DW)] = zero16

    @pl.loop(0, RPT // KB)
    def _(k):
        pltpu.sync_copy(bufa_v, accf_sh.at[pl.ds(sid * RPT + k * KB, KB), :])
        pltpu.sync_copy(den_v, accd_sh.at[pl.ds(sid * RPT + k * KB, KB), :])

    plsc.subcore_barrier()

    cvec = c_v[...]
    lane = lax.iota(jnp.int32, 16)
    e0 = jnp.where(lane == 0, 1.0, 0.0).astype(jnp.float32)
    himask = jnp.full((16,), -65536, jnp.int32)

    def refill(ci):
        pltpu.sync_copy(src_hbm.at[wid, pl.ds(ci * CH, CH), :], si_c)
        pltpu.sync_copy(dst_hbm.at[wid, pl.ds(ci * CH, CH), :], di_c)

    def compute_w(row):
        @plsc.parallel_loop(0, KB, step=16, unroll=5)
        def _(j):
            s16 = si_c[row, pl.ds(j, 16)]
            d16 = di_c[row, pl.ds(j, 16)]
            pv = plsc.load_gather(pa_v, [s16])
            qv = plsc.load_gather(pa_v, [d16])
            af = plsc.bitcast(pv << 16, jnp.float32)
            df = plsc.bitcast(qv & himask, jnp.float32)
            al = af + df
            al = jnp.where(al >= 0.0, al, NEG_SLOPE * al)
            w_v[pl.ds(j, 16)] = jnp.exp(al - cvec)
            di_row[pl.ds(j, 16)] = d16

    def advance(bnext, buf, sem):
        @pl.when(bnext % CH == 0)
        def _():
            refill(bnext // CH)
        pltpu.async_copy(xp_hbm.at[si_c.at[bnext % CH]], buf, sem)

    def process(buf):
        @plsc.parallel_loop(0, KB, unroll=4)
        def _(j):
            sv = plsc.load_gather(w_v, [jnp.full((16,), j, jnp.int32)])
            for c0 in range(F // 16):
                buf[j, pl.ds(c0 * 16, 16)] = buf[j, pl.ds(c0 * 16, 16)] * sv
            den_v[j, pl.ds(0, DW)] = sv * e0

        pltpu.sync_copy(buf, accf_sh.at[di_row], add=True)
        pltpu.sync_copy(den_v, accd_sh.at[di_row], add=True)

    def wait_gather(buf, sem):
        pltpu.make_async_copy(xp_hbm.at[si_c.at[0]], buf, sem).wait()

    refill(0)
    pltpu.async_copy(xp_hbm.at[si_c.at[0]], bufa_v, sema)

    @pl.loop(0, (NB - 1) // 2)
    def _(k):
        b0 = 2 * k
        compute_w(b0 % CH)
        advance(b0 + 1, bufb_v, semb)
        wait_gather(bufa_v, sema)
        process(bufa_v)
        compute_w((b0 + 1) % CH)
        advance(b0 + 2, bufa_v, sema)
        wait_gather(bufb_v, semb)
        process(bufb_v)

    compute_w((NB - 1) % CH)
    wait_gather(bufa_v, sema)
    process(bufa_v)

    plsc.subcore_barrier()

    pltpu.sync_copy(accf_sh.at[pl.ds(sid * RPT, RPT), :],
                    outf_hbm.at[cid].at[pl.ds(sid * RPT, RPT), :])
    pltpu.sync_copy(accd_sh.at[pl.ds(sid * RPT, RPT), :],
                    outd_hbm.at[cid].at[pl.ds(sid * RPT, RPT), :])


def _final_body(pf_ref, pd_ref, b_ref, o_ref):
    num = pf_ref[0, :NN, :] + pf_ref[1, :NN, :]
    den = pd_ref[0, :NN, 0:1] + pd_ref[1, :NN, 0:1]
    o_ref[...] = jnp.maximum(num / (den + 1e-16) + b_ref[...], 0.0)


def kernel(x, edge_index, W, att_src, att_dst, bias):
    xp, av, bv, c11 = pl.pallas_call(
        _prep_body,
        out_shape=[
            jax.ShapeDtypeStruct((NN, F), jnp.float32),
            jax.ShapeDtypeStruct((NN, 1), jnp.float32),
            jax.ShapeDtypeStruct((NN, 1), jnp.float32),
            jax.ShapeDtypeStruct((1, 1), jnp.float32),
        ],
    )(x, W, att_src, att_dst)

    au = lax.bitcast_convert_type(
        av.astype(jnp.bfloat16), jnp.uint16).astype(jnp.uint32)
    du = lax.bitcast_convert_type(
        bv.astype(jnp.bfloat16), jnp.uint16).astype(jnp.uint32)
    packed = lax.bitcast_convert_type((du << 16) | au, jnp.int32).reshape(NN)
    cvec = jnp.broadcast_to(c11.reshape(()), (16,))

    src2 = edge_index[0].reshape(NW, NB, KB)
    dst2 = edge_index[1].reshape(NW, NB, KB)

    mesh = plsc.VectorSubcoreMesh(core_axis_name="c", subcore_axis_name="s")
    sc_params = pltpu.CompilerParams()
    if "needs_layout_passes" in pltpu.CompilerParams.__dataclass_fields__:
        sc_params = dataclasses.replace(sc_params, needs_layout_passes=False)
    if "use_tc_tiling_on_sc" in pltpu.CompilerParams.__dataclass_fields__:
        sc_params = dataclasses.replace(sc_params, use_tc_tiling_on_sc=False)
    edge_kernel = functools.partial(
        pl.kernel,
        compiler_params=sc_params,
        out_type=[
            jax.ShapeDtypeStruct((NC, NP, F), jnp.float32),
            jax.ShapeDtypeStruct((NC, NP, DW), jnp.float32),
        ],
        mesh=mesh,
        scratch_types=[
            pltpu.VMEM((NN,), jnp.int32),
            pltpu.VMEM((16,), jnp.float32),
            pltpu.VMEM((CH, KB), jnp.int32),
            pltpu.VMEM((CH, KB), jnp.int32),
            pltpu.VMEM((KB, F), jnp.float32),
            pltpu.VMEM((KB, F), jnp.float32),
            pltpu.VMEM((KB, DW), jnp.float32),
            pltpu.VMEM((KB,), jnp.float32),
            pltpu.VMEM((KB,), jnp.int32),
            pltpu.VMEM_SHARED((NP, F), jnp.float32),
            pltpu.VMEM_SHARED((NP, DW), jnp.float32),
            pltpu.SemaphoreType.DMA,
            pltpu.SemaphoreType.DMA,
        ],
    )(_edge_body)
    pf, pd = edge_kernel(src2, dst2, xp, packed, cvec)

    out = pl.pallas_call(
        _final_body,
        out_shape=jax.ShapeDtypeStruct((NN, F), jnp.float32),
    )(pf, pd, bias)
    return out

# --- scband reference (transcript-rebuilt; emitter-appended) ---
"""Pipeline reference for scband-gat-block-49495203119224 (READ-ONLY COPY).

The authoritative reference and input builder live on the scoring server;
editing this copy changes nothing except your own understanding.
"""

import jax, jax.numpy as jnp
import numpy as np

N = 10000
E = 320000
IN = 128
OUT = 128
H = 1
NEG_SLOPE = 0.2


def setup_inputs(seed: int = 0) -> dict:
    key = jax.random.key(seed)
    k1, k2, k3, k4, k5 = jax.random.split(key, 5)
    x = jax.random.normal(k1, (N, IN), dtype=jnp.float32)
    edge_index = jax.random.randint(k2, (2, E), 0, N, dtype=jnp.int32)
    W = jax.random.normal(k3, (IN, H * OUT), dtype=jnp.float32) * (1.0 / np.sqrt(IN))
    att_src = jax.random.normal(k4, (H, OUT), dtype=jnp.float32) * 0.1
    att_dst = jax.random.normal(k5, (H, OUT), dtype=jnp.float32) * 0.1
    bias = jnp.zeros((H * OUT,), dtype=jnp.float32)
    return {"x": x, "edge_index": edge_index, "W": W, "att_src": att_src, "att_dst": att_dst, "bias": bias}


def _leaky_relu(v, slope):
    return jnp.where(v >= 0, v, slope * v)


def reference(x, edge_index, W, att_src, att_dst, bias):
    # GATConv (PyG semantics, concat=True) followed by ReLU activation (norm=None)
    src = edge_index[0]
    dst = edge_index[1]
    xp = (x @ W).reshape(N, H, OUT)                       # [N, H, C]
    a_src = jnp.sum(xp * att_src[None, :, :], axis=-1)    # [N, H]
    a_dst = jnp.sum(xp * att_dst[None, :, :], axis=-1)    # [N, H]
    alpha = _leaky_relu(a_src[src] + a_dst[dst], NEG_SLOPE)  # [E, H]
    # segment softmax over incoming edges at each dst node
    seg_max = jax.ops.segment_max(alpha, dst, num_segments=N)  # [N, H]
    seg_max = jnp.where(jnp.isfinite(seg_max), seg_max, 0.0)
    alpha_exp = jnp.exp(alpha - seg_max[dst])
    seg_sum = jax.ops.segment_sum(alpha_exp, dst, num_segments=N)  # [N, H]
    alpha_norm = alpha_exp / (seg_sum[dst] + 1e-16)
    msgs = xp[src] * alpha_norm[:, :, None]               # [E, H, C]
    out = jax.ops.segment_sum(msgs, dst, num_segments=N)  # [N, H, C]
    out = out.reshape(N, H * OUT) + bias[None, :]
    return jax.nn.relu(out)

if __name__ == "__main__":
    import jax
    _d = setup_inputs()
    print(jax.jit(kernel)(*tuple(_d.values())))

</pallas_src>

<mosaic_0001>
#map = affine_map<(d0, d1) -> (0, 0, 0)>
#map1 = affine_map<(d0, d1) -> (0, 0)>
#map2 = affine_map<(d0, d1) -> (0)>
module attributes {stable_mosaic.version = 14 : i64} {
  func.func @_edge_body(%arg0: i32, %arg1: i32, %arg2: memref<32x125x80xi32, #tpu.memory_space<hbm>>, %arg3: memref<32x125x80xi32, #tpu.memory_space<hbm>>, %arg4: memref<10000x128xf32, #tpu.memory_space<hbm>>, %arg5: memref<10000xi32, #tpu.memory_space<hbm>>, %arg6: memref<16xf32, #tpu.memory_space<hbm>>, %arg7: memref<2x10240x128xf32, #tpu.memory_space<hbm>>, %arg8: memref<2x10240x16xf32, #tpu.memory_space<hbm>>, %arg9: memref<10000xi32, #tpu.memory_space<vmem>>, %arg10: memref<16xf32, #tpu.memory_space<vmem>>, %arg11: memref<25x80xi32, #tpu.memory_space<vmem>>, %arg12: memref<25x80xi32, #tpu.memory_space<vmem>>, %arg13: memref<80x128xf32, #tpu.memory_space<vmem>>, %arg14: memref<80x128xf32, #tpu.memory_space<vmem>>, %arg15: memref<80x16xf32, #tpu.memory_space<vmem>>, %arg16: memref<80xf32, #tpu.memory_space<vmem>>, %arg17: memref<80xi32, #tpu.memory_space<vmem>>, %arg18: memref<10240x128xf32, #tpu.memory_space<vmem_shared>>, %arg19: memref<10240x16xf32, #tpu.memory_space<vmem_shared>>, %arg20: memref<!tpu.dma_semaphore, #tpu.memory_space<semaphore_mem>>, %arg21: memref<!tpu.dma_semaphore, #tpu.memory_space<semaphore_mem>>) attributes {dimension_semantics = [#tpu.dimension_semantics<core_parallel>, #tpu.dimension_semantics<subcore_parallel>], iteration_bounds = array<i64: 2, 16>, scalar_prefetch = 0 : i64, scratch_operands = 13 : i64, tpu.core_type = #tpu.core_type<sc_vector_subcore>, window_params = [{transform_indices = #map}, {transform_indices = #map}, {transform_indices = #map1}, {transform_indices = #map2}, {transform_indices = #map2}, {transform_indices = #map}, {transform_indices = #map}]} {
    %mul3A = arith.constant 2 : i32
    %mul3A_0 = arith.muli %arg1, %mul3A : i32
    %add3A = arith.addi %mul3A_0, %arg0 : i32
    "tpu.region"() ({
      %run_scoped3A = tpu.sem_alloc : memref<!tpu.dma_semaphore, #tpu.memory_space<semaphore_mem>>
      tpu.enqueue_dma source(%arg5 : memref<10000xi32, #tpu.memory_space<hbm>>) target(%arg9 : memref<10000xi32, #tpu.memory_space<vmem>>) target_semaphore(%run_scoped3A : memref<!tpu.dma_semaphore, #tpu.memory_space<semaphore_mem>>)
      tpu.wait_dma2 semaphore(%run_scoped3A : memref<!tpu.dma_semaphore, #tpu.memory_space<semaphore_mem>>) src(%arg5 : memref<10000xi32, #tpu.memory_space<hbm>>) dst(%arg9 : memref<10000xi32, #tpu.memory_space<vmem>>)
      tpu.yield
    }) : () -> ()
    "tpu.region"() ({
      %run_scoped3A = tpu.sem_alloc : memref<!tpu.dma_semaphore, #tpu.memory_space<semaphore_mem>>
      tpu.enqueue_dma source(%arg6 : memref<16xf32, #tpu.memory_space<hbm>>) target(%arg10 : memref<16xf32, #tpu.memory_space<vmem>>) target_semaphore(%run_scoped3A : memref<!tpu.dma_semaphore, #tpu.memory_space<semaphore_mem>>)
      tpu.wait_dma2 semaphore(%run_scoped3A : memref<!tpu.dma_semaphore, #tpu.memory_space<semaphore_mem>>) src(%arg6 : memref<16xf32, #tpu.memory_space<hbm>>) dst(%arg10 : memref<16xf32, #tpu.memory_space<vmem>>)
      tpu.yield
    }) : () -> ()
    %broadcast_in_dim3A = arith.constant 0.000000e+00 : f32
    %broadcast_in_dim3A_1 = vector.broadcast %broadcast_in_dim3A : f32 to vector<16xf32>
    %scan3A = arith.constant 0 : i32
    %scan3A_2 = arith.constant 80 : i32
    %scan3A_3 = arith.addi %scan3A, %scan3A_2 : i32
    %scan3A_4 = arith.constant 1 : i32
    scf.for %scan3A_50 = %scan3A to %scan3A_3 step %scan3A_4  : i32 {
      %mul3A_51 = arith.constant 1 : i32
      %mul3A_52 = arith.muli %scan3A_50, %mul3A_51 : i32
      %add3A_53 = arith.constant 0 : i32
      %add3A_54 = arith.addi %add3A_53, %mul3A_52 : i32
      %swap3A = arith.index_cast %add3A_54 : i32 to index
      %swap3A_55 = arith.constant 0 : index
      %swap3A_56 = tpu.vector_load %arg13[%swap3A, %swap3A_55] {strides = array<i32>} : memref<80x128xf32, #tpu.memory_space<vmem>>, vector<16xf32>,
      tpu.vector_store %arg13[%swap3A, %swap3A_55], %broadcast_in_dim3A_1 {strides = array<i32>} : memref<80x128xf32, #tpu.memory_space<vmem>>, vector<16xf32>,
      %swap3A_57 = arith.index_cast %add3A_54 : i32 to index
      %swap3A_58 = arith.constant 16 : index
      %swap3A_59 = tpu.vector_load %arg13[%swap3A_57, %swap3A_58] {strides = array<i32>} : memref<80x128xf32, #tpu.memory_space<vmem>>, vector<16xf32>,
      tpu.vector_store %arg13[%swap3A_57, %swap3A_58], %broadcast_in_dim3A_1 {strides = array<i32>} : memref<80x128xf32, #tpu.memory_space<vmem>>, vector<16xf32>,
      %swap3A_60 = arith.index_cast %add3A_54 : i32 to index
      %swap3A_61 = arith.constant 32 : index
      %swap3A_62 = tpu.vector_load %arg13[%swap3A_60, %swap3A_61] {strides = array<i32>} : memref<80x128xf32, #tpu.memory_space<vmem>>, vector<16xf32>,
      tpu.vector_store %arg13[%swap3A_60, %swap3A_61], %broadcast_in_dim3A_1 {strides = array<i32>} : memref<80x128xf32, #tpu.memory_space<vmem>>, vector<16xf32>,
      %swap3A_63 = arith.index_cast %add3A_54 : i32 to index
      %swap3A_64 = arith.constant 48 : index
      %swap3A_65 = tpu.vector_load %arg13[%swap3A_63, %swap3A_64] {strides = array<i32>} : memref<80x128xf32, #tpu.memory_space<vmem>>, vector<16xf32>,
      tpu.vector_store %arg13[%swap3A_63, %swap3A_64], %broadcast_in_dim3A_1 {strides = array<i32>} : memref<80x128xf32, #tpu.memory_space<vmem>>, vector<16xf32>,
      %swap3A_66 = arith.index_cast %add3A_54 : i32 to index
      %swap3A_67 = arith.constant 64 : index
      %swap3A_68 = tpu.vector_load %arg13[%swap3A_66, %swap3A_67] {strides = array<i32>} : memref<80x128xf32, #tpu.memory_space<vmem>>, vector<16xf32>,
      tpu.vector_store %arg13[%swap3A_66, %swap3A_67], %broadcast_in_dim3A_1 {strides = array<i32>} : memref<80x128xf32, #tpu.memory_space<vmem>>, vector<16xf32>,
      %swap3A_69 = arith.index_cast %add3A_54 : i32 to index
      %swap3A_70 = arith.constant 80 : index
      %swap3A_71 = tpu.vector_load %arg13[%swap3A_69, %swap3A_70] {strides = array<i32>} : memref<80x128xf32, #tpu.memory_space<vmem>>, vector<16xf32>,
      tpu.vector_store %arg13[%swap3A_69, %swap3A_70], %broadcast_in_dim3A_1 {strides = array<i32>} : memref<80x128xf32, #tpu.memory_space<vmem>>, vector<16xf32>,
      %swap3A_72 = arith.index_cast %add3A_54 : i32 to index
      %swap3A_73 = arith.constant 96 : index
      %swap3A_74 = tpu.vector_load %arg13[%swap3A_72, %swap3A_73] {strides = array<i32>} : memref<80x128xf32, #tpu.memory_space<vmem>>, vector<16xf32>,
      tpu.vector_store %arg13[%swap3A_72, %swap3A_73], %broadcast_in_dim3A_1 {strides = array<i32>} : memref<80x128xf32, #tpu.memory_space<vmem>>, vector<16xf32>,
      %swap3A_75 = arith.index_cast %add3A_54 : i32 to index
      %swap3A_76 = arith.constant 112 : index
      %swap3A_77 = tpu.vector_load %arg13[%swap3A_75, %swap3A_76] {strides = array<i32>} : memref<80x128xf32, #tpu.memory_space<vmem>>, vector<16xf32>,
      tpu.vector_store %arg13[%swap3A_75, %swap3A_76], %broadcast_in_dim3A_1 {strides = array<i32>} : memref<80x128xf32, #tpu.memory_space<vmem>>, vector<16xf32>,
      %swap3A_78 = arith.index_cast %add3A_54 : i32 to index
      %swap3A_79 = arith.constant 0 : index
      %swap3A_80 = tpu.vector_load %arg15[%swap3A_78, %swap3A_79] {strides = array<i32>} : memref<80x16xf32, #tpu.memory_space<vmem>>, vector<16xf32>,
      tpu.vector_store %arg15[%swap3A_78, %swap3A_79], %broadcast_in_dim3A_1 {strides = array<i32>} : memref<80x16xf32, #tpu.memory_space<vmem>>, vector<16xf32>,
    }
    %scan3A_5 = arith.constant 80 : i32
    %scan3A_6 = arith.constant 0 : i32
    %scan3A_7 = arith.constant 8 : i32
    %scan3A_8 = arith.addi %scan3A_6, %scan3A_7 : i32
    %scan3A_9 = arith.constant 1 : i32
    scf.for %scan3A_50 = %scan3A_6 to %scan3A_8 step %scan3A_9  : i32 {
      %mul3A_51 = arith.constant 1 : i32
      %mul3A_52 = arith.muli %scan3A_50, %mul3A_51 : i32
      %add3A_53 = arith.constant 0 : i32
      %add3A_54 = arith.addi %add3A_53, %mul3A_52 : i32
      %mul3A_55 = arith.constant 640 : i32
      %mul3A_56 = arith.muli %arg1, %mul3A_55 : i32
      %mul3A_57 = arith.constant 80 : i32
      %mul3A_58 = arith.muli %add3A_54, %mul3A_57 : i32
      %add3A_59 = arith.addi %mul3A_56, %mul3A_58 : i32
      "tpu.region"() ({
        %run_scoped3A = tpu.sem_alloc : memref<!tpu.dma_semaphore, #tpu.memory_space<semaphore_mem>>
        %dma_start3A_65 = arith.constant 0 : i32
        %dma_start3A_66 = tpu.memref_slice %arg18[%add3A_59, %dma_start3A_65] : memref<10240x128xf32, #tpu.memory_space<vmem_shared>> -> memref<80x128xf32, #tpu.memory_space<vmem_shared>>
        %dma_start3A_67 = arith.constant 0 : i32
        %dma_start3A_68 = tpu.memref_slice %arg18[%add3A_59, %dma_start3A_67] : memref<10240x128xf32, #tpu.memory_space<vmem_shared>> -> memref<80x128xf32, #tpu.memory_space<vmem_shared>>
        tpu.enqueue_dma source(%arg13 : memref<80x128xf32, #tpu.memory_space<vmem>>) target(%dma_start3A_68 : memref<80x128xf32, #tpu.memory_space<vmem_shared>>) target_semaphore(%run_scoped3A : memref<!tpu.dma_semaphore, #tpu.memory_space<semaphore_mem>>)
        %dma_wait3A_69 = arith.constant 0 : i32
        %dma_wait3A_70 = tpu.memref_slice %arg18[%add3A_59, %dma_wait3A_69] : memref<10240x128xf32, #tpu.memory_space<vmem_shared>> -> memref<80x128xf32, #tpu.memory_space<vmem_shared>>
        %dma_wait3A_71 = arith.constant 0 : i32
        %dma_wait3A_72 = tpu.memref_slice %arg18[%add3A_59, %dma_wait3A_71] : memref<10240x128xf32, #tpu.memory_space<vmem_shared>> -> memref<80x128xf32, #tpu.memory_space<vmem_shared>>
        tpu.wait_dma2 semaphore(%run_scoped3A : memref<!tpu.dma_semaphore, #tpu.memory_space<semaphore_mem>>) src(%arg13 : memref<80x128xf32, #tpu.memory_space<vmem>>) dst(%dma_wait3A_72 : memref<80x128xf32, #tpu.memory_space<vmem_shared>>)
        tpu.yield
      }) : () -> ()
      %mul3A_60 = arith.constant 640 : i32
      %mul3A_61 = arith.muli %arg1, %mul3A_60 : i32
      %mul3A_62 = arith.constant 80 : i32
      %mul3A_63 = arith.muli %add3A_54, %mul3A_62 : i32
      %add3A_64 = arith.addi %mul3A_61, %mul3A_63 : i32
      "tpu.region"() ({
        %run_scoped3A = tpu.sem_alloc : memref<!tpu.dma_semaphore, #tpu.memory_space<semaphore_mem>>
        %dma_start3A_65 = arith.constant 0 : i32
        %dma_start3A_66 = tpu.memref_slice %arg19[%add3A_64, %dma_start3A_65] : memref<10240x16xf32, #tpu.memory_space<vmem_shared>> -> memref<80x16xf32, #tpu.memory_space<vmem_shared>>
        %dma_start3A_67 = arith.constant 0 : i32
        %dma_start3A_68 = tpu.memref_slice %arg19[%add3A_64, %dma_start3A_67] : memref<10240x16xf32, #tpu.memory_space<vmem_shared>> -> memref<80x16xf32, #tpu.memory_space<vmem_shared>>
        tpu.enqueue_dma source(%arg15 : memref<80x16xf32, #tpu.memory_space<vmem>>) target(%dma_start3A_68 : memref<80x16xf32, #tpu.memory_space<vmem_shared>>) target_semaphore(%run_scoped3A : memref<!tpu.dma_semaphore, #tpu.memory_space<semaphore_mem>>)
        %dma_wait3A_69 = arith.constant 0 : i32
        %dma_wait3A_70 = tpu.memref_slice %arg19[%add3A_64, %dma_wait3A_69] : memref<10240x16xf32, #tpu.memory_space<vmem_shared>> -> memref<80x16xf32, #tpu.memory_space<vmem_shared>>
        %dma_wait3A_71 = arith.constant 0 : i32
        %dma_wait3A_72 = tpu.memref_slice %arg19[%add3A_64, %dma_wait3A_71] : memref<10240x16xf32, #tpu.memory_space<vmem_shared>> -> memref<80x16xf32, #tpu.memory_space<vmem_shared>>
        tpu.wait_dma2 semaphore(%run_scoped3A : memref<!tpu.dma_semaphore, #tpu.memory_space<semaphore_mem>>) src(%arg15 : memref<80x16xf32, #tpu.memory_space<vmem>>) dst(%dma_wait3A_72 : memref<80x16xf32, #tpu.memory_space<vmem_shared>>)
        tpu.yield
      }) : () -> ()
    }
    %scan3A_10 = arith.constant 8 : i32
    %barrier3A = arith.constant 0 : index
    tpu.barrier barrier_id(%barrier3A)
    %get3A = arith.constant 0 : index
    %get3A_11 = tpu.vector_load %arg10[%get3A] {strides = array<i32>} : memref<16xf32, #tpu.memory_space<vmem>>, vector<16xf32>,
    %iota3A = tpu.iota {dimensions = array<i32: 0>} : vector<16xi32>
    %eq3A = arith.constant 0 : i32
    %eq3A_12 = vector.broadcast %eq3A : i32 to vector<16xi32>
    %eq3A_13 = arith.cmpi eq, %iota3A, %eq3A_12 : vector<16xi32>
    %jit3A = arith.constant 1.000000e+00 : f32
    %jit3A_14 = arith.constant 0.000000e+00 : f32
    %broadcast_in_dim3A_15 = vector.broadcast %jit3A : f32 to vector<16xf32>
    %broadcast_in_dim3A_16 = vector.broadcast %jit3A_14 : f32 to vector<16xf32>
    %select_n3A = arith.select %eq3A_13, %broadcast_in_dim3A_15, %broadcast_in_dim3A_16 : vector<16xi1>, vector<16xf32>
    %broadcast_in_dim3A_17 = arith.constant -65536 : i32
    %broadcast_in_dim3A_18 = vector.broadcast %broadcast_in_dim3A_17 : i32 to vector<16xi32>
    "tpu.region"() ({
      %run_scoped3A = tpu.sem_alloc : memref<!tpu.dma_semaphore, #tpu.memory_space<semaphore_mem>>
      %dma_start3A_50 = arith.constant 0 : i32
      %dma_start3A_51 = arith.constant 0 : i32
      %dma_start3A_52 = tpu.memref_slice %arg2[%add3A, %dma_start3A_50, %dma_start3A_51] : memref<32x125x80xi32, #tpu.memory_space<hbm>> -> memref<1x25x80xi32, #tpu.memory_space<hbm>>
      %dma_start3A_53 = tpu.memref_squeeze %dma_start3A_52 : memref<1x25x80xi32, #tpu.memory_space<hbm>> -> memref<25x80xi32, #tpu.memory_space<hbm>>
      %dma_start3A_54 = arith.constant 0 : i32
      %dma_start3A_55 = arith.constant 0 : i32
      %dma_start3A_56 = tpu.memref_slice %arg2[%add3A, %dma_start3A_54, %dma_start3A_55] : memref<32x125x80xi32, #tpu.memory_space<hbm>> -> memref<1x25x80xi32, #tpu.memory_space<hbm>>
      %dma_start3A_57 = tpu.memref_squeeze %dma_start3A_56 : memref<1x25x80xi32, #tpu.memory_space<hbm>> -> memref<25x80xi32, #tpu.memory_space<hbm>>
      tpu.enqueue_dma source(%dma_start3A_57 : memref<25x80xi32, #tpu.memory_space<hbm>>) target(%arg11 : memref<25x80xi32, #tpu.memory_space<vmem>>) target_semaphore(%run_scoped3A : memref<!tpu.dma_semaphore, #tpu.memory_space<semaphore_mem>>)
      %dma_wait3A_58 = arith.constant 0 : i32
      %dma_wait3A_59 = arith.constant 0 : i32
      %dma_wait3A_60 = tpu.memref_slice %arg2[%add3A, %dma_wait3A_58, %dma_wait3A_59] : memref<32x125x80xi32, #tpu.memory_space<hbm>> -> memref<1x25x80xi32, #tpu.memory_space<hbm>>
      %dma_wait3A_61 = tpu.memref_squeeze %dma_wait3A_60 : memref<1x25x80xi32, #tpu.memory_space<hbm>> -> memref<25x80xi32, #tpu.memory_space<hbm>>
      %dma_wait3A_62 = arith.constant 0 : i32
      %dma_wait3A_63 = arith.constant 0 : i32
      %dma_wait3A_64 = tpu.memref_slice %arg2[%add3A, %dma_wait3A_62, %dma_wait3A_63] : memref<32x125x80xi32, #tpu.memory_space<hbm>> -> memref<1x25x80xi32, #tpu.memory_space<hbm>>
      %dma_wait3A_65 = tpu.memref_squeeze %dma_wait3A_64 : memref<1x25x80xi32, #tpu.memory_space<hbm>> -> memref<25x80xi32, #tpu.memory_space<hbm>>
      tpu.wait_dma2 semaphore(%run_scoped3A : memref<!tpu.dma_semaphore, #tpu.memory_space<semaphore_mem>>) src(%dma_wait3A_65 : memref<25x80xi32, #tpu.memory_space<hbm>>) dst(%arg11 : memref<25x80xi32, #tpu.memory_space<vmem>>)
      tpu.yield
    }) : () -> ()
    "tpu.region"() ({
      %run_scoped3A = tpu.sem_alloc : memref<!tpu.dma_semaphore, #tpu.memory_space<semaphore_mem>>
      %dma_start3A_50 = arith.constant 0 : i32
      %dma_start3A_51 = arith.constant 0 : i32
      %dma_start3A_52 = tpu.memref_slice %arg3[%add3A, %dma_start3A_50, %dma_start3A_51] : memref<32x125x80xi32, #tpu.memory_space<hbm>> -> memref<1x25x80xi32, #tpu.memory_space<hbm>>
      %dma_start3A_53 = tpu.memref_squeeze %dma_start3A_52 : memref<1x25x80xi32, #tpu.memory_space<hbm>> -> memref<25x80xi32, #tpu.memory_space<hbm>>
      %dma_start3A_54 = arith.constant 0 : i32
      %dma_start3A_55 = arith.constant 0 : i32
      %dma_start3A_56 = tpu.memref_slice %arg3[%add3A, %dma_start3A_54, %dma_start3A_55] : memref<32x125x80xi32, #tpu.memory_space<hbm>> -> memref<1x25x80xi32, #tpu.memory_space<hbm>>
      %dma_start3A_57 = tpu.memref_squeeze %dma_start3A_56 : memref<1x25x80xi32, #tpu.memory_space<hbm>> -> memref<25x80xi32, #tpu.memory_space<hbm>>
      tpu.enqueue_dma source(%dma_start3A_57 : memref<25x80xi32, #tpu.memory_space<hbm>>) target(%arg12 : memref<25x80xi32, #tpu.memory_space<vmem>>) target_semaphore(%run_scoped3A : memref<!tpu.dma_semaphore, #tpu.memory_space<semaphore_mem>>)
      %dma_wait3A_58 = arith.constant 0 : i32
      %dma_wait3A_59 = arith.constant 0 : i32
      %dma_wait3A_60 = tpu.memref_slice %arg3[%add3A, %dma_wait3A_58, %dma_wait3A_59] : memref<32x125x80xi32, #tpu.memory_space<hbm>> -> memref<1x25x80xi32, #tpu.memory_space<hbm>>
      %dma_wait3A_61 = tpu.memref_squeeze %dma_wait3A_60 : memref<1x25x80xi32, #tpu.memory_space<hbm>> -> memref<25x80xi32, #tpu.memory_space<hbm>>
      %dma_wait3A_62 = arith.constant 0 : i32
      %dma_wait3A_63 = arith.constant 0 : i32
      %dma_wait3A_64 = tpu.memref_slice %arg3[%add3A, %dma_wait3A_62, %dma_wait3A_63] : memref<32x125x80xi32, #tpu.memory_space<hbm>> -> memref<1x25x80xi32, #tpu.memory_space<hbm>>
      %dma_wait3A_65 = tpu.memref_squeeze %dma_wait3A_64 : memref<1x25x80xi32, #tpu.memory_space<hbm>> -> memref<25x80xi32, #tpu.memory_space<hbm>>
      tpu.wait_dma2 semaphore(%run_scoped3A : memref<!tpu.dma_semaphore, #tpu.memory_space<semaphore_mem>>) src(%dma_wait3A_65 : memref<25x80xi32, #tpu.memory_space<hbm>>) dst(%arg12 : memref<25x80xi32, #tpu.memory_space<vmem>>)
      tpu.yield
    }) : () -> ()
    %dma_start3A = arith.constant 0 : i32
    %dma_start3A_19 = arith.constant 0 : i32
    %dma_start3A_20 = tpu.memref_slice %arg11[%dma_start3A, %dma_start3A_19] : memref<25x80xi32, #tpu.memory_space<vmem>> -> memref<1x80xi32, #tpu.memory_space<vmem>>
    %dma_start3A_21 = tpu.memref_squeeze %dma_start3A_20 : memref<1x80xi32, #tpu.memory_space<vmem>> -> memref<80xi32, #tpu.memory_space<vmem>>
    %dma_start3A_22 = arith.constant 0 : i32
    %dma_start3A_23 = arith.constant 0 : i32
    %dma_start3A_24 = tpu.memref_slice %arg4[%dma_start3A_22, %dma_start3A_23] : memref<10000x128xf32, #tpu.memory_space<hbm>> -> memref<10000x128xf32, #tpu.memory_space<hbm>>
    tpu.enqueue_indirect_dma source(%dma_start3A_24 : memref<10000x128xf32, #tpu.memory_space<hbm>>) target(%arg13 : memref<80x128xf32, #tpu.memory_space<vmem>>) offsets(%dma_start3A_21 : memref<80xi32, #tpu.memory_space<vmem>>) semaphore(%arg20 : memref<!tpu.dma_semaphore, #tpu.memory_space<semaphore_mem>>)
    %scan3A_25 = arith.constant 0 : i32
    %scan3A_26 = arith.constant 62 : i32
    %scan3A_27 = arith.addi %scan3A_25, %scan3A_26 : i32
    %scan3A_28 = arith.constant 1 : i32
    scf.for %scan3A_50 = %scan3A_25 to %scan3A_27 step %scan3A_28  : i32 {
      %mul3A_51 = arith.constant 1 : i32
      %mul3A_52 = arith.muli %scan3A_50, %mul3A_51 : i32
      %add3A_53 = arith.constant 0 : i32
      %add3A_54 = arith.addi %add3A_53, %mul3A_52 : i32
      %mul3A_55 = arith.constant 2 : i32
      %mul3A_56 = arith.muli %mul3A_55, %add3A_54 : i32
      %jit3A_57 = arith.constant 25 : i32
      %eq3A_58 = arith.constant 0 : i32
      %eq3A_59 = arith.cmpi eq, %jit3A_57, %eq3A_58 : i32
      %jit3A_60 = arith.constant 1 : i32
      %select_n3A_61 = arith.select %eq3A_59, %jit3A_60, %jit3A_57 : i32
      %rem3A = arith.remsi %mul3A_56, %select_n3A_61 : i32
      %ne3A = arith.constant 0 : i32
      %ne3A_62 = arith.cmpi ne, %rem3A, %ne3A : i32
      %lt3A = arith.constant 0 : i32
      %lt3A_63 = arith.cmpi slt, %rem3A, %lt3A : i32
      %lt3A_64 = arith.constant 0 : i32
      %lt3A_65 = arith.cmpi slt, %select_n3A_61, %lt3A_64 : i32
      %ne3A_66 = arith.xori %lt3A_63, %lt3A_65 : i1
      %and3A = arith.andi %ne3A_66, %ne3A_62 : i1
      %add3A_67 = arith.addi %rem3A, %select_n3A_61 : i32
      %select_n3A_68 = arith.select %and3A, %add3A_67, %rem3A : i32
      %parallel_loop3A_69 = arith.constant 0 : i32
      %parallel_loop3A_70 = arith.constant 80 : i32
      %parallel_loop3A_71 = arith.constant 16 : i32
      scf.for %parallel_loop3A_201 = %parallel_loop3A_69 to %parallel_loop3A_70 step %parallel_loop3A_71  : i32 {
        %parallel_loop3A_202 = arith.index_cast %select_n3A_68 : i32 to index
        %parallel_loop3A_203 = arith.index_cast %parallel_loop3A_201 : i32 to index
        %parallel_loop3A_204 = tpu.vector_load %arg11[%parallel_loop3A_202, %parallel_loop3A_203] {strides = array<i32>} : memref<25x80xi32, #tpu.memory_space<vmem>>, vector<16xi32>,
        %parallel_loop3A_205 = arith.index_cast %select_n3A_68 : i32 to index
        %parallel_loop3A_206 = arith.index_cast %parallel_loop3A_201 : i32 to index
        %parallel_loop3A_207 = tpu.vector_load %arg12[%parallel_loop3A_205, %parallel_loop3A_206] {strides = array<i32>} : memref<25x80xi32, #tpu.memory_space<vmem>>, vector<16xi32>,
        %parallel_loop3A_208 = tpu.vector_load_idx %arg9[%parallel_loop3A_204] : memref<10000xi32, #tpu.memory_space<vmem>>[vector<16xi32>], vector<16xi32>,
        %parallel_loop3A_209 = tpu.vector_load_idx %arg9[%parallel_loop3A_207] : memref<10000xi32, #tpu.memory_space<vmem>>[vector<16xi32>], vector<16xi32>,
        %parallel_loop3A_210 = arith.constant 16 : i32
        %parallel_loop3A_211 = vector.broadcast %parallel_loop3A_210 : i32 to vector<16xi32>
        %parallel_loop3A_212 = arith.shli %parallel_loop3A_208, %parallel_loop3A_211 : vector<16xi32>
        %parallel_loop3A_213 = vector.bitcast %parallel_loop3A_212 : vector<16xi32> to vector<16xf32>
        %parallel_loop3A_214 = arith.andi %parallel_loop3A_209, %broadcast_in_dim3A_18 : vector<16xi32>
        %parallel_loop3A_215 = vector.bitcast %parallel_loop3A_214 : vector<16xi32> to vector<16xf32>
        %parallel_loop3A_216 = arith.addf %parallel_loop3A_213, %parallel_loop3A_215 : vector<16xf32>
        %parallel_loop3A_217 = arith.constant 0.000000e+00 : f32
        %parallel_loop3A_218 = vector.broadcast %parallel_loop3A_217 : f32 to vector<16xf32>
        %parallel_loop3A_219 = arith.cmpf oge, %parallel_loop3A_216, %parallel_loop3A_218 : vector<16xf32>
        %parallel_loop3A_220 = arith.constant 2.000000e-01 : f32
        %parallel_loop3A_221 = vector.broadcast %parallel_loop3A_220 : f32 to vector<16xf32>
        %parallel_loop3A_222 = arith.mulf %parallel_loop3A_221, %parallel_loop3A_216 : vector<16xf32>
        %parallel_loop3A_223 = arith.select %parallel_loop3A_219, %parallel_loop3A_216, %parallel_loop3A_222 : vector<16xi1>, vector<16xf32>
        %parallel_loop3A_224 = arith.subf %parallel_loop3A_223, %get3A_11 : vector<16xf32>
        %parallel_loop3A_225 = math.exp %parallel_loop3A_224 : vector<16xf32>
        %parallel_loop3A_226 = arith.index_cast %parallel_loop3A_201 : i32 to index
        %parallel_loop3A_227 = tpu.vector_load %arg16[%parallel_loop3A_226] {strides = array<i32>} : memref<80xf32, #tpu.memory_space<vmem>>, vector<16xf32>,
        tpu.vector_store %arg16[%parallel_loop3A_226], %parallel_loop3A_225 {strides = array<i32>} : memref<80xf32, #tpu.memory_space<vmem>>, vector<16xf32>,
        %parallel_loop3A_228 = arith.index_cast %parallel_loop3A_201 : i32 to index
        %parallel_loop3A_229 = tpu.vector_load %arg17[%parallel_loop3A_228] {strides = array<i32>} : memref<80xi32, #tpu.memory_space<vmem>>, vector<16xi32>,
        tpu.vector_store %arg17[%parallel_loop3A_228], %parallel_loop3A_207 {strides = array<i32>} : memref<80xi32, #tpu.memory_space<vmem>>, vector<16xi32>,
      } {sc.loop_unroll_factor = 5 : i64, sc.parallel_access}
      %add3A_72 = arith.constant 1 : i32
      %add3A_73 = arith.addi %mul3A_56, %add3A_72 : i32
      %jit3A_74 = arith.constant 25 : i32
      %eq3A_75 = arith.constant 0 : i32
      %eq3A_76 = arith.cmpi eq, %jit3A_74, %eq3A_75 : i32
      %jit3A_77 = arith.constant 1 : i32
      %select_n3A_78 = arith.select %eq3A_76, %jit3A_77, %jit3A_74 : i32
      %rem3A_79 = arith.remsi %add3A_73, %select_n3A_78 : i32
      %ne3A_80 = arith.constant 0 : i32
      %ne3A_81 = arith.cmpi ne, %rem3A_79, %ne3A_80 : i32
      %lt3A_82 = arith.constant 0 : i32
      %lt3A_83 = arith.cmpi slt, %rem3A_79, %lt3A_82 : i32
      %lt3A_84 = arith.constant 0 : i32
      %lt3A_85 = arith.cmpi slt, %select_n3A_78, %lt3A_84 : i32
      %ne3A_86 = arith.xori %lt3A_83, %lt3A_85 : i1
      %and3A_87 = arith.andi %ne3A_86, %ne3A_81 : i1
      %add3A_88 = arith.addi %rem3A_79, %select_n3A_78 : i32
      %select_n3A_89 = arith.select %and3A_87, %add3A_88, %rem3A_79 : i32
      %eq3A_90 = arith.constant 0 : i32
      %eq3A_91 = arith.cmpi eq, %select_n3A_89, %eq3A_90 : i32
      %convert_element_type3A = arith.extui %eq3A_91 : i1 to i32
      %cond3A = arith.constant 0 : i32
      %cond3A_92 = arith.cmpi ne, %convert_element_type3A, %cond3A : i32
      scf.if %cond3A_92 {
        %jit3A_201 = arith.constant 25 : i32
        %div3A = arith.divsi %add3A_73, %jit3A_201 : i32
        %sign3A = arith.constant 0 : i32
        %sign3A_202 = arith.cmpi sgt, %add3A_73, %sign3A : i32
        %sign3A_203 = arith.extui %sign3A_202 : i1 to i32
        %sign3A_204 = arith.constant 0 : i32
        %sign3A_205 = arith.cmpi slt, %add3A_73, %sign3A_204 : i32
        %sign3A_206 = arith.extui %sign3A_205 : i1 to i32
        %sign3A_207 = arith.subi %sign3A_203, %sign3A_206 : i32
        %sign3A_208 = arith.constant 0 : i32
        %sign3A_209 = arith.cmpi sgt, %jit3A_201, %sign3A_208 : i32
        %sign3A_210 = arith.extui %sign3A_209 : i1 to i32
        %sign3A_211 = arith.constant 0 : i32
        %sign3A_212 = arith.cmpi slt, %jit3A_201, %sign3A_211 : i32
        %sign3A_213 = arith.extui %sign3A_212 : i1 to i32
        %sign3A_214 = arith.subi %sign3A_210, %sign3A_213 : i32
        %ne3A_215 = arith.cmpi ne, %sign3A_207, %sign3A_214 : i32
        %rem3A_216 = arith.remsi %add3A_73, %jit3A_201 : i32
        %ne3A_217 = arith.constant 0 : i32
        %ne3A_218 = arith.cmpi ne, %rem3A_216, %ne3A_217 : i32
        %and3A_219 = arith.andi %ne3A_215, %ne3A_218 : i1
        %sub3A = arith.constant 1 : i32
        %sub3A_220 = arith.subi %div3A, %sub3A : i32
        %select_n3A_221 = arith.select %and3A_219, %sub3A_220, %div3A : i32
        %mul3A_222 = arith.constant 25 : i32
        %mul3A_223 = arith.muli %select_n3A_221, %mul3A_222 : i32
        "tpu.region"() ({
          %run_scoped3A = tpu.sem_alloc : memref<!tpu.dma_semaphore, #tpu.memory_space<semaphore_mem>>
          %dma_start3A_226 = arith.constant 0 : i32
          %dma_start3A_227 = tpu.memref_slice %arg2[%add3A, %mul3A_223, %dma_start3A_226] : memref<32x125x80xi32, #tpu.memory_space<hbm>> -> memref<1x25x80xi32, #tpu.memory_space<hbm>>
          %dma_start3A_228 = tpu.memref_squeeze %dma_start3A_227 : memref<1x25x80xi32, #tpu.memory_space<hbm>> -> memref<25x80xi32, #tpu.memory_space<hbm>>
          %dma_start3A_229 = arith.constant 0 : i32
          %dma_start3A_230 = tpu.memref_slice %arg2[%add3A, %mul3A_223, %dma_start3A_229] : memref<32x125x80xi32, #tpu.memory_space<hbm>> -> memref<1x25x80xi32, #tpu.memory_space<hbm>>
          %dma_start3A_231 = tpu.memref_squeeze %dma_start3A_230 : memref<1x25x80xi32, #tpu.memory_space<hbm>> -> memref<25x80xi32, #tpu.memory_space<hbm>>
          tpu.enqueue_dma source(%dma_start3A_231 : memref<25x80xi32, #tpu.memory_space<hbm>>) target(%arg11 : memref<25x80xi32, #tpu.memory_space<vmem>>) target_semaphore(%run_scoped3A : memref<!tpu.dma_semaphore, #tpu.memory_space<semaphore_mem>>)
          %dma_wait3A_232 = arith.constant 0 : i32
          %dma_wait3A_233 = tpu.memref_slice %arg2[%add3A, %mul3A_223, %dma_wait3A_232] : memref<32x125x80xi32, #tpu.memory_space<hbm>> -> memref<1x25x80xi32, #tpu.memory_space<hbm>>
          %dma_wait3A_234 = tpu.memref_squeeze %dma_wait3A_233 : memref<1x25x80xi32, #tpu.memory_space<hbm>> -> memref<25x80xi32, #tpu.memory_space<hbm>>
          %dma_wait3A_235 = arith.constant 0 : i32
          %dma_wait3A_236 = tpu.memref_slice %arg2[%add3A, %mul3A_223, %dma_wait3A_235] : memref<32x125x80xi32, #tpu.memory_space<hbm>> -> memref<1x25x80xi32, #tpu.memory_space<hbm>>
          %dma_wait3A_237 = tpu.memref_squeeze %dma_wait3A_236 : memref<1x25x80xi32, #tpu.memory_space<hbm>> -> memref<25x80xi32, #tpu.memory_space<hbm>>
          tpu.wait_dma2 semaphore(%run_scoped3A : memref<!tpu.dma_semaphore, #tpu.memory_space<semaphore_mem>>) src(%dma_wait3A_237 : memref<25x80xi32, #tpu.memory_space<hbm>>) dst(%arg11 : memref<25x80xi32, #tpu.memory_space<vmem>>)
          tpu.yield
        }) : () -> ()
        %mul3A_224 = arith.constant 25 : i32
        %mul3A_225 = arith.muli %select_n3A_221, %mul3A_224 : i32
        "tpu.region"() ({
          %run_scoped3A = tpu.sem_alloc : memref<!tpu.dma_semaphore, #tpu.memory_space<semaphore_mem>>
          %dma_start3A_226 = arith.constant 0 : i32
          %dma_start3A_227 = tpu.memref_slice %arg3[%add3A, %mul3A_225, %dma_start3A_226] : memref<32x125x80xi32, #tpu.memory_space<hbm>> -> memref<1x25x80xi32, #tpu.memory_space<hbm>>
          %dma_start3A_228 = tpu.memref_squeeze %dma_start3A_227 : memref<1x25x80xi32, #tpu.memory_space<hbm>> -> memref<25x80xi32, #tpu.memory_space<hbm>>
          %dma_start3A_229 = arith.constant 0 : i32
          %dma_start3A_230 = tpu.memref_slice %arg3[%add3A, %mul3A_225, %dma_start3A_229] : memref<32x125x80xi32, #tpu.memory_space<hbm>> -> memref<1x25x80xi32, #tpu.memory_space<hbm>>
          %dma_start3A_231 = tpu.memref_squeeze %dma_start3A_230 : memref<1x25x80xi32, #tpu.memory_space<hbm>> -> memref<25x80xi32, #tpu.memory_space<hbm>>
          tpu.enqueue_dma source(%dma_start3A_231 : memref<25x80xi32, #tpu.memory_space<hbm>>) target(%arg12 : memref<25x80xi32, #tpu.memory_space<vmem>>) target_semaphore(%run_scoped3A : memref<!tpu.dma_semaphore, #tpu.memory_space<semaphore_mem>>)
          %dma_wait3A_232 = arith.constant 0 : i32
          %dma_wait3A_233 = tpu.memref_slice %arg3[%add3A, %mul3A_225, %dma_wait3A_232] : memref<32x125x80xi32, #tpu.memory_space<hbm>> -> memref<1x25x80xi32, #tpu.memory_space<hbm>>
          %dma_wait3A_234 = tpu.memref_squeeze %dma_wait3A_233 : memref<1x25x80xi32, #tpu.memory_space<hbm>> -> memref<25x80xi32, #tpu.memory_space<hbm>>
          %dma_wait3A_235 = arith.constant 0 : i32
          %dma_wait3A_236 = tpu.memref_slice %arg3[%add3A, %mul3A_225, %dma_wait3A_235] : memref<32x125x80xi32, #tpu.memory_space<hbm>> -> memref<1x25x80xi32, #tpu.memory_space<hbm>>
          %dma_wait3A_237 = tpu.memref_squeeze %dma_wait3A_236 : memref<1x25x80xi32, #tpu.memory_space<hbm>> -> memref<25x80xi32, #tpu.memory_space<hbm>>
          tpu.wait_dma2 semaphore(%run_scoped3A : memref<!tpu.dma_semaphore, #tpu.memory_space<semaphore_mem>>) src(%dma_wait3A_237 : memref<25x80xi32, #tpu.memory_space<hbm>>) dst(%arg12 : memref<25x80xi32, #tpu.memory_space<vmem>>)
          tpu.yield
        }) : () -> ()
      } else {
      }
      %jit3A_93 = arith.constant 25 : i32
      %eq3A_94 = arith.constant 0 : i32
      %eq3A_95 = arith.cmpi eq, %jit3A_93, %eq3A_94 : i32
      %jit3A_96 = arith.constant 1 : i32
      %select_n3A_97 = arith.select %eq3A_95, %jit3A_96, %jit3A_93 : i32
      %rem3A_98 = arith.remsi %add3A_73, %select_n3A_97 : i32
      %ne3A_99 = arith.constant 0 : i32
      %ne3A_100 = arith.cmpi ne, %rem3A_98, %ne3A_99 : i32
      %lt3A_101 = arith.constant 0 : i32
      %lt3A_102 = arith.cmpi slt, %rem3A_98, %lt3A_101 : i32
      %lt3A_103 = arith.constant 0 : i32
      %lt3A_104 = arith.cmpi slt, %select_n3A_97, %lt3A_103 : i32
      %ne3A_105 = arith.xori %lt3A_102, %lt3A_104 : i1
      %and3A_106 = arith.andi %ne3A_105, %ne3A_100 : i1
      %add3A_107 = arith.addi %rem3A_98, %select_n3A_97 : i32
      %select_n3A_108 = arith.select %and3A_106, %add3A_107, %rem3A_98 : i32
      %dma_start3A_109 = arith.constant 0 : i32
      %dma_start3A_110 = tpu.memref_slice %arg11[%select_n3A_108, %dma_start3A_109] : memref<25x80xi32, #tpu.memory_space<vmem>> -> memref<1x80xi32, #tpu.memory_space<vmem>>
      %dma_start3A_111 = tpu.memref_squeeze %dma_start3A_110 : memref<1x80xi32, #tpu.memory_space<vmem>> -> memref<80xi32, #tpu.memory_space<vmem>>
      %dma_start3A_112 = arith.constant 0 : i32
      %dma_start3A_113 = arith.constant 0 : i32
      %dma_start3A_114 = tpu.memref_slice %arg4[%dma_start3A_112, %dma_start3A_113] : memref<10000x128xf32, #tpu.memory_space<hbm>> -> memref<10000x128xf32, #tpu.memory_space<hbm>>
      tpu.enqueue_indirect_dma source(%dma_start3A_114 : memref<10000x128xf32, #tpu.memory_space<hbm>>) target(%arg14 : memref<80x128xf32, #tpu.memory_space<vmem>>) offsets(%dma_start3A_111 : memref<80xi32, #tpu.memory_space<vmem>>) semaphore(%arg21 : memref<!tpu.dma_semaphore, #tpu.memory_space<semaphore_mem>>)
      %dma_wait3A_115 = arith.constant 0 : i32
      %dma_wait3A_116 = arith.constant 0 : i32
      %dma_wait3A_117 = tpu.memref_slice %arg11[%dma_wait3A_115, %dma_wait3A_116] : memref<25x80xi32, #tpu.memory_space<vmem>> -> memref<1x80xi32, #tpu.memory_space<vmem>>
      %dma_wait3A_118 = tpu.memref_squeeze %dma_wait3A_117 : memref<1x80xi32, #tpu.memory_space<vmem>> -> memref<80xi32, #tpu.memory_space<vmem>>
      %dma_wait3A_119 = arith.constant 0 : i32
      %dma_wait3A_120 = arith.constant 0 : i32
      %dma_wait3A_121 = tpu.memref_slice %arg4[%dma_wait3A_119, %dma_wait3A_120] : memref<10000x128xf32, #tpu.memory_space<hbm>> -> memref<10000x128xf32, #tpu.memory_space<hbm>>
      tpu.wait_indirect_dma semaphore(%arg20 : memref<!tpu.dma_semaphore, #tpu.memory_space<semaphore_mem>>) src(%dma_wait3A_121 : memref<10000x128xf32, #tpu.memory_space<hbm>>) dst(%arg13 : memref<80x128xf32, #tpu.memory_space<vmem>>)
      %parallel_loop3A_122 = arith.constant 0 : i32
      %parallel_loop3A_123 = arith.constant 80 : i32
      %parallel_loop3A_124 = arith.constant 1 : i32
      scf.for %parallel_loop3A_201 = %parallel_loop3A_122 to %parallel_loop3A_123 step %parallel_loop3A_124  : i32 {
        %parallel_loop3A_202 = vector.broadcast %parallel_loop3A_201 : i32 to vector<16xi32>
        %parallel_loop3A_203 = tpu.vector_load_idx %arg16[%parallel_loop3A_202] : memref<80xf32, #tpu.memory_space<vmem>>[vector<16xi32>], vector<16xf32>,
        %parallel_loop3A_204 = arith.index_cast %parallel_loop3A_201 : i32 to index
        %parallel_loop3A_205 = arith.constant 0 : index
        %parallel_loop3A_206 = tpu.vector_load %arg13[%parallel_loop3A_204, %parallel_loop3A_205] {strides = array<i32>} : memref<80x128xf32, #tpu.memory_space<vmem>>, vector<16xf32>,
        %parallel_loop3A_207 = arith.mulf %parallel_loop3A_206, %parallel_loop3A_203 : vector<16xf32>
        %parallel_loop3A_208 = arith.index_cast %parallel_loop3A_201 : i32 to index
        %parallel_loop3A_209 = arith.constant 0 : index
        %parallel_loop3A_210 = tpu.vector_load %arg13[%parallel_loop3A_208, %parallel_loop3A_209] {strides = array<i32>} : memref<80x128xf32, #tpu.memory_space<vmem>>, vector<16xf32>,
        tpu.vector_store %arg13[%parallel_loop3A_208, %parallel_loop3A_209], %parallel_loop3A_207 {strides = array<i32>} : memref<80x128xf32, #tpu.memory_space<vmem>>, vector<16xf32>,
        %parallel_loop3A_211 = arith.index_cast %parallel_loop3A_201 : i32 to index
        %parallel_loop3A_212 = arith.constant 16 : index
        %parallel_loop3A_213 = tpu.vector_load %arg13[%parallel_loop3A_211, %parallel_loop3A_212] {strides = array<i32>} : memref<80x128xf32, #tpu.memory_space<vmem>>, vector<16xf32>,
        %parallel_loop3A_214 = arith.mulf %parallel_loop3A_213, %parallel_loop3A_203 : vector<16xf32>
        %parallel_loop3A_215 = arith.index_cast %parallel_loop3A_201 : i32 to index
        %parallel_loop3A_216 = arith.constant 16 : index
        %parallel_loop3A_217 = tpu.vector_load %arg13[%parallel_loop3A_215, %parallel_loop3A_216] {strides = array<i32>} : memref<80x128xf32, #tpu.memory_space<vmem>>, vector<16xf32>,
        tpu.vector_store %arg13[%parallel_loop3A_215, %parallel_loop3A_216], %parallel_loop3A_214 {strides = array<i32>} : memref<80x128xf32, #tpu.memory_space<vmem>>, vector<16xf32>,
        %parallel_loop3A_218 = arith.index_cast %parallel_loop3A_201 : i32 to index
        %parallel_loop3A_219 = arith.constant 32 : index
        %parallel_loop3A_220 = tpu.vector_load %arg13[%parallel_loop3A_218, %parallel_loop3A_219] {strides = array<i32>} : memref<80x128xf32, #tpu.memory_space<vmem>>, vector<16xf32>,
        %parallel_loop3A_221 = arith.mulf %parallel_loop3A_220, %parallel_loop3A_203 : vector<16xf32>
        %parallel_loop3A_222 = arith.index_cast %parallel_loop3A_201 : i32 to index
        %parallel_loop3A_223 = arith.constant 32 : index
        %parallel_loop3A_224 = tpu.vector_load %arg13[%parallel_loop3A_222, %parallel_loop3A_223] {strides = array<i32>} : memref<80x128xf32, #tpu.memory_space<vmem>>, vector<16xf32>,
        tpu.vector_store %arg13[%parallel_loop3A_222, %parallel_loop3A_223], %parallel_loop3A_221 {strides = array<i32>} : memref<80x128xf32, #tpu.memory_space<vmem>>, vector<16xf32>,
        %parallel_loop3A_225 = arith.index_cast %parallel_loop3A_201 : i32 to index
        %parallel_loop3A_226 = arith.constant 48 : index
        %parallel_loop3A_227 = tpu.vector_load %arg13[%parallel_loop3A_225, %parallel_loop3A_226] {strides = array<i32>} : memref<80x128xf32, #tpu.memory_space<vmem>>, vector<16xf32>,
        %parallel_loop3A_228 = arith.mulf %parallel_loop3A_227, %parallel_loop3A_203 : vector<16xf32>
        %parallel_loop3A_229 = arith.index_cast %parallel_loop3A_201 : i32 to index
        %parallel_loop3A_230 = arith.constant 48 : index
        %parallel_loop3A_231 = tpu.vector_load %arg13[%parallel_loop3A_229, %parallel_loop3A_230] {strides = array<i32>} : memref<80x128xf32, #tpu.memory_space<vmem>>, vector<16xf32>,
        tpu.vector_store %arg13[%parallel_loop3A_229, %parallel_loop3A_230], %parallel_loop3A_228 {strides = array<i32>} : memref<80x128xf32, #tpu.memory_space<vmem>>, vector<16xf32>,
        %parallel_loop3A_232 = arith.index_cast %parallel_loop3A_201 : i32 to index
        %parallel_loop3A_233 = arith.constant 64 : index
        %parallel_loop3A_234 = tpu.vector_load %arg13[%parallel_loop3A_232, %parallel_loop3A_233] {strides = array<i32>} : memref<80x128xf32, #tpu.memory_space<vmem>>, vector<16xf32>,
        %parallel_loop3A_235 = arith.mulf %parallel_loop3A_234, %parallel_loop3A_203 : vector<16xf32>
        %parallel_loop3A_236 = arith.index_cast %parallel_loop3A_201 : i32 to index
        %parallel_loop3A_237 = arith.constant 64 : index
        %parallel_loop3A_238 = tpu.vector_load %arg13[%parallel_loop3A_236, %parallel_loop3A_237] {strides = array<i32>} : memref<80x128xf32, #tpu.memory_space<vmem>>, vector<16xf32>,
        tpu.vector_store %arg13[%parallel_loop3A_236, %parallel_loop3A_237], %parallel_loop3A_235 {strides = array<i32>} : memref<80x128xf32, #tpu.memory_space<vmem>>, vector<16xf32>,
        %parallel_loop3A_239 = arith.index_cast %parallel_loop3A_201 : i32 to index
        %parallel_loop3A_240 = arith.constant 80 : index
        %parallel_loop3A_241 = tpu.vector_load %arg13[%parallel_loop3A_239, %parallel_loop3A_240] {strides = array<i32>} : memref<80x128xf32, #tpu.memory_space<vmem>>, vector<16xf32>,
        %parallel_loop3A_242 = arith.mulf %parallel_loop3A_241, %parallel_loop3A_203 : vector<16xf32>
        %parallel_loop3A_243 = arith.index_cast %parallel_loop3A_201 : i32 to index
        %parallel_loop3A_244 = arith.constant 80 : index
        %parallel_loop3A_245 = tpu.vector_load %arg13[%parallel_loop3A_243, %parallel_loop3A_244] {strides = array<i32>} : memref<80x128xf32, #tpu.memory_space<vmem>>, vector<16xf32>,
        tpu.vector_store %arg13[%parallel_loop3A_243, %parallel_loop3A_244], %parallel_loop3A_242 {strides = array<i32>} : memref<80x128xf32, #tpu.memory_space<vmem>>, vector<16xf32>,
        %parallel_loop3A_246 = arith.index_cast %parallel_loop3A_201 : i32 to index
        %parallel_loop3A_247 = arith.constant 96 : index
        %parallel_loop3A_248 = tpu.vector_load %arg13[%parallel_loop3A_246, %parallel_loop3A_247] {strides = array<i32>} : memref<80x128xf32, #tpu.memory_space<vmem>>, vector<16xf32>,
        %parallel_loop3A_249 = arith.mulf %parallel_loop3A_248, %parallel_loop3A_203 : vector<16xf32>
        %parallel_loop3A_250 = arith.index_cast %parallel_loop3A_201 : i32 to index
        %parallel_loop3A_251 = arith.constant 96 : index
        %parallel_loop3A_252 = tpu.vector_load %arg13[%parallel_loop3A_250, %parallel_loop3A_251] {strides = array<i32>} : memref<80x128xf32, #tpu.memory_space<vmem>>, vector<16xf32>,
        tpu.vector_store %arg13[%parallel_loop3A_250, %parallel_loop3A_251], %parallel_loop3A_249 {strides = array<i32>} : memref<80x128xf32, #tpu.memory_space<vmem>>, vector<16xf32>,
        %parallel_loop3A_253 = arith.index_cast %parallel_loop3A_201 : i32 to index
        %parallel_loop3A_254 = arith.constant 112 : index
        %parallel_loop3A_255 = tpu.vector_load %arg13[%parallel_loop3A_253, %parallel_loop3A_254] {strides = array<i32>} : memref<80x128xf32, #tpu.memory_space<vmem>>, vector<16xf32>,
        %parallel_loop3A_256 = arith.mulf %parallel_loop3A_255, %parallel_loop3A_203 : vector<16xf32>
        %parallel_loop3A_257 = arith.index_cast %parallel_loop3A_201 : i32 to index
        %parallel_loop3A_258 = arith.constant 112 : index
        %parallel_loop3A_259 = tpu.vector_load %arg13[%parallel_loop3A_257, %parallel_loop3A_258] {strides = array<i32>} : memref<80x128xf32, #tpu.memory_space<vmem>>, vector<16xf32>,
        tpu.vector_store %arg13[%parallel_loop3A_257, %parallel_loop3A_258], %parallel_loop3A_256 {strides = array<i32>} : memref<80x128xf32, #tpu.memory_space<vmem>>, vector<16xf32>,
        %parallel_loop3A_260 = arith.mulf %parallel_loop3A_203, %select_n3A : vector<16xf32>
        %parallel_loop3A_261 = arith.index_cast %parallel_loop3A_201 : i32 to index
        %parallel_loop3A_262 = arith.constant 0 : index
        %parallel_loop3A_263 = tpu.vector_load %arg15[%parallel_loop3A_261, %parallel_loop3A_262] {strides = array<i32>} : memref<80x16xf32, #tpu.memory_space<vmem>>, vector<16xf32>,
        tpu.vector_store %arg15[%parallel_loop3A_261, %parallel_loop3A_262], %parallel_loop3A_260 {strides = array<i32>} : memref<80x16xf32, #tpu.memory_space<vmem>>, vector<16xf32>,
      } {sc.loop_unroll_factor = 4 : i64, sc.parallel_access}
      "tpu.region"() ({
        %run_scoped3A = tpu.sem_alloc : memref<!tpu.dma_semaphore, #tpu.memory_space<semaphore_mem>>
        %dma_start3A_201 = arith.constant 0 : i32
        %dma_start3A_202 = arith.constant 0 : i32
        %dma_start3A_203 = tpu.memref_slice %arg18[%dma_start3A_201, %dma_start3A_202] : memref<10240x128xf32, #tpu.memory_space<vmem_shared>> -> memref<10240x128xf32, #tpu.memory_space<vmem_shared>>
        tpu.enqueue_indirect_dma source(%arg13 : memref<80x128xf32, #tpu.memory_space<vmem>>) target(%dma_start3A_203 : memref<10240x128xf32, #tpu.memory_space<vmem_shared>>) offsets(%arg17 : memref<80xi32, #tpu.memory_space<vmem>>) semaphore(%run_scoped3A : memref<!tpu.dma_semaphore, #tpu.memory_space<semaphore_mem>>) {add = true}
        %dma_wait3A_204 = arith.constant 0 : i32
        %dma_wait3A_205 = arith.constant 0 : i32
        %dma_wait3A_206 = tpu.memref_slice %arg18[%dma_wait3A_204, %dma_wait3A_205] : memref<10240x128xf32, #tpu.memory_space<vmem_shared>> -> memref<10240x128xf32, #tpu.memory_space<vmem_shared>>
        tpu.wait_indirect_dma semaphore(%run_scoped3A : memref<!tpu.dma_semaphore, #tpu.memory_space<semaphore_mem>>) src(%arg13 : memref<80x128xf32, #tpu.memory_space<vmem>>) dst(%dma_wait3A_206 : memref<10240x128xf32, #tpu.memory_space<vmem_shared>>)
        tpu.yield
      }) : () -> ()
      "tpu.region"() ({
        %run_scoped3A = tpu.sem_alloc : memref<!tpu.dma_semaphore, #tpu.memory_space<semaphore_mem>>
        %dma_start3A_201 = arith.constant 0 : i32
        %dma_start3A_202 = arith.constant 0 : i32
        %dma_start3A_203 = tpu.memref_slice %arg19[%dma_start3A_201, %dma_start3A_202] : memref<10240x16xf32, #tpu.memory_space<vmem_shared>> -> memref<10240x16xf32, #tpu.memory_space<vmem_shared>>
        tpu.enqueue_indirect_dma source(%arg15 : memref<80x16xf32, #tpu.memory_space<vmem>>) target(%dma_start3A_203 : memref<10240x16xf32, #tpu.memory_space<vmem_shared>>) offsets(%arg17 : memref<80xi32, #tpu.memory_space<vmem>>) semaphore(%run_scoped3A : memref<!tpu.dma_semaphore, #tpu.memory_space<semaphore_mem>>) {add = true}
        %dma_wait3A_204 = arith.constant 0 : i32
        %dma_wait3A_205 = arith.constant 0 : i32
        %dma_wait3A_206 = tpu.memref_slice %arg19[%dma_wait3A_204, %dma_wait3A_205] : memref<10240x16xf32, #tpu.memory_space<vmem_shared>> -> memref<10240x16xf32, #tpu.memory_space<vmem_shared>>
        tpu.wait_indirect_dma semaphore(%run_scoped3A : memref<!tpu.dma_semaphore, #tpu.memory_space<semaphore_mem>>) src(%arg15 : memref<80x16xf32, #tpu.memory_space<vmem>>) dst(%dma_wait3A_206 : memref<10240x16xf32, #tpu.memory_space<vmem_shared>>)
        tpu.yield
      }) : () -> ()
      %add3A_125 = arith.constant 1 : i32
      %add3A_126 = arith.addi %mul3A_56, %add3A_125 : i32
      %jit3A_127 = arith.constant 25 : i32
      %eq3A_128 = arith.constant 0 : i32
      %eq3A_129 = arith.cmpi eq, %jit3A_127, %eq3A_128 : i32
      %jit3A_130 = arith.constant 1 : i32
      %select_n3A_131 = arith.select %eq3A_129, %jit3A_130, %jit3A_127 : i32
      %rem3A_132 = arith.remsi %add3A_126, %select_n3A_131 : i32
      %ne3A_133 = arith.constant 0 : i32
      %ne3A_134 = arith.cmpi ne, %rem3A_132, %ne3A_133 : i32
      %lt3A_135 = arith.constant 0 : i32
      %lt3A_136 = arith.cmpi slt, %rem3A_132, %lt3A_135 : i32
      %lt3A_137 = arith.constant 0 : i32
      %lt3A_138 = arith.cmpi slt, %select_n3A_131, %lt3A_137 : i32
      %ne3A_139 = arith.xori %lt3A_136, %lt3A_138 : i1
      %and3A_140 = arith.andi %ne3A_139, %ne3A_134 : i1
      %add3A_141 = arith.addi %rem3A_132, %select_n3A_131 : i32
      %select_n3A_142 = arith.select %and3A_140, %add3A_141, %rem3A_132 : i32
      %parallel_loop3A_143 = arith.constant 0 : i32
      %parallel_loop3A_144 = arith.constant 80 : i32
      %parallel_loop3A_145 = arith.constant 16 : i32
      scf.for %parallel_loop3A_201 = %parallel_loop3A_143 to %parallel_loop3A_144 step %parallel_loop3A_145  : i32 {
        %parallel_loop3A_202 = arith.index_cast %select_n3A_142 : i32 to index
        %parallel_loop3A_203 = arith.index_cast %parallel_loop3A_201 : i32 to index
        %parallel_loop3A_204 = tpu.vector_load %arg11[%parallel_loop3A_202, %parallel_loop3A_203] {strides = array<i32>} : memref<25x80xi32, #tpu.memory_space<vmem>>, vector<16xi32>,
        %parallel_loop3A_205 = arith.index_cast %select_n3A_142 : i32 to index
        %parallel_loop3A_206 = arith.index_cast %parallel_loop3A_201 : i32 to index
        %parallel_loop3A_207 = tpu.vector_load %arg12[%parallel_loop3A_205, %parallel_loop3A_206] {strides = array<i32>} : memref<25x80xi32, #tpu.memory_space<vmem>>, vector<16xi32>,
        %parallel_loop3A_208 = tpu.vector_load_idx %arg9[%parallel_loop3A_204] : memref<10000xi32, #tpu.memory_space<vmem>>[vector<16xi32>], vector<16xi32>,
        %parallel_loop3A_209 = tpu.vector_load_idx %arg9[%parallel_loop3A_207] : memref<10000xi32, #tpu.memory_space<vmem>>[vector<16xi32>], vector<16xi32>,
        %parallel_loop3A_210 = arith.constant 16 : i32
        %parallel_loop3A_211 = vector.broadcast %parallel_loop3A_210 : i32 to vector<16xi32>
        %parallel_loop3A_212 = arith.shli %parallel_loop3A_208, %parallel_loop3A_211 : vector<16xi32>
        %parallel_loop3A_213 = vector.bitcast %parallel_loop3A_212 : vector<16xi32> to vector<16xf32>
        %parallel_loop3A_214 = arith.andi %parallel_loop3A_209, %broadcast_in_dim3A_18 : vector<16xi32>
        %parallel_loop3A_215 = vector.bitcast %parallel_loop3A_214 : vector<16xi32> to vector<16xf32>
        %parallel_loop3A_216 = arith.addf %parallel_loop3A_213, %parallel_loop3A_215 : vector<16xf32>
        %parallel_loop3A_217 = arith.constant 0.000000e+00 : f32
        %parallel_loop3A_218 = vector.broadcast %parallel_loop3A_217 : f32 to vector<16xf32>
        %parallel_loop3A_219 = arith.cmpf oge, %parallel_loop3A_216, %parallel_loop3A_218 : vector<16xf32>
        %parallel_loop3A_220 = arith.constant 2.000000e-01 : f32
        %parallel_loop3A_221 = vector.broadcast %parallel_loop3A_220 : f32 to vector<16xf32>
        %parallel_loop3A_222 = arith.mulf %parallel_loop3A_221, %parallel_loop3A_216 : vector<16xf32>
        %parallel_loop3A_223 = arith.select %parallel_loop3A_219, %parallel_loop3A_216, %parallel_loop3A_222 : vector<16xi1>, vector<16xf32>
        %parallel_loop3A_224 = arith.subf %parallel_loop3A_223, %get3A_11 : vector<16xf32>
        %parallel_loop3A_225 = math.exp %parallel_loop3A_224 : vector<16xf32>
        %parallel_loop3A_226 = arith.index_cast %parallel_loop3A_201 : i32 to index
        %parallel_loop3A_227 = tpu.vector_load %arg16[%parallel_loop3A_226] {strides = array<i32>} : memref<80xf32, #tpu.memory_space<vmem>>, vector<16xf32>,
        tpu.vector_store %arg16[%parallel_loop3A_226], %parallel_loop3A_225 {strides = array<i32>} : memref<80xf32, #tpu.memory_space<vmem>>, vector<16xf32>,
        %parallel_loop3A_228 = arith.index_cast %parallel_loop3A_201 : i32 to index
        %parallel_loop3A_229 = tpu.vector_load %arg17[%parallel_loop3A_228] {strides = array<i32>} : memref<80xi32, #tpu.memory_space<vmem>>, vector<16xi32>,
        tpu.vector_store %arg17[%parallel_loop3A_228], %parallel_loop3A_207 {strides = array<i32>} : memref<80xi32, #tpu.memory_space<vmem>>, vector<16xi32>,
      } {sc.loop_unroll_factor = 5 : i64, sc.parallel_access}
      %add3A_146 = arith.constant 2 : i32
      %add3A_147 = arith.addi %mul3A_56, %add3A_146 : i32
      %jit3A_148 = arith.constant 25 : i32
      %eq3A_149 = arith.constant 0 : i32
      %eq3A_150 = arith.cmpi eq, %jit3A_148, %eq3A_149 : i32
      %jit3A_151 = arith.constant 1 : i32
      %select_n3A_152 = arith.select %eq3A_150, %jit3A_151, %jit3A_148 : i32
      %rem3A_153 = arith.remsi %add3A_147, %select_n3A_152 : i32
      %ne3A_154 = arith.constant 0 : i32
      %ne3A_155 = arith.cmpi ne, %rem3A_153, %ne3A_154 : i32
      %lt3A_156 = arith.constant 0 : i32
      %lt3A_157 = arith.cmpi slt, %rem3A_153, %lt3A_156 : i32
      %lt3A_158 = arith.constant 0 : i32
      %lt3A_159 = arith.cmpi slt, %select_n3A_152, %lt3A_158 : i32
      %ne3A_160 = arith.xori %lt3A_157, %lt3A_159 : i1
      %and3A_161 = arith.andi %ne3A_160, %ne3A_155 : i1
      %add3A_162 = arith.addi %rem3A_153, %select_n3A_152 : i32
      %select_n3A_163 = arith.select %and3A_161, %add3A_162, %rem3A_153 : i32
      %eq3A_164 = arith.constant 0 : i32
      %eq3A_165 = arith.cmpi eq, %select_n3A_163, %eq3A_164 : i32
      %convert_element_type3A_166 = arith.extui %eq3A_165 : i1 to i32
      %cond3A_167 = arith.constant 0 : i32
      %cond3A_168 = arith.cmpi ne, %convert_element_type3A_166, %cond3A_167 : i32
      scf.if %cond3A_168 {
        %jit3A_201 = arith.constant 25 : i32
        %div3A = arith.divsi %add3A_147, %jit3A_201 : i32
        %sign3A = arith.constant 0 : i32
        %sign3A_202 = arith.cmpi sgt, %add3A_147, %sign3A : i32
        %sign3A_203 = arith.extui %sign3A_202 : i1 to i32
        %sign3A_204 = arith.constant 0 : i32
        %sign3A_205 = arith.cmpi slt, %add3A_147, %sign3A_204 : i32
        %sign3A_206 = arith.extui %sign3A_205 : i1 to i32
        %sign3A_207 = arith.subi %sign3A_203, %sign3A_206 : i32
        %sign3A_208 = arith.constant 0 : i32
        %sign3A_209 = arith.cmpi sgt, %jit3A_201, %sign3A_208 : i32
        %sign3A_210 = arith.extui %sign3A_209 : i1 to i32
        %sign3A_211 = arith.constant 0 : i32
        %sign3A_212 = arith.cmpi slt, %jit3A_201, %sign3A_211 : i32
        %sign3A_213 = arith.extui %sign3A_212 : i1 to i32
        %sign3A_214 = arith.subi %sign3A_210, %sign3A_213 : i32
        %ne3A_215 = arith.cmpi ne, %sign3A_207, %sign3A_214 : i32
        %rem3A_216 = arith.remsi %add3A_147, %jit3A_201 : i32
        %ne3A_217 = arith.constant 0 : i32
        %ne3A_218 = arith.cmpi ne, %rem3A_216, %ne3A_217 : i32
        %and3A_219 = arith.andi %ne3A_215, %ne3A_218 : i1
        %sub3A = arith.constant 1 : i32
        %sub3A_220 = arith.subi %div3A, %sub3A : i32
        %select_n3A_221 = arith.select %and3A_219, %sub3A_220, %div3A : i32
        %mul3A_222 = arith.constant 25 : i32
        %mul3A_223 = arith.muli %select_n3A_221, %mul3A_222 : i32
        "tpu.region"() ({
          %run_scoped3A = tpu.sem_alloc : memref<!tpu.dma_semaphore, #tpu.memory_space<semaphore_mem>>
          %dma_start3A_226 = arith.constant 0 : i32
          %dma_start3A_227 = tpu.memref_slice %arg2[%add3A, %mul3A_223, %dma_start3A_226] : memref<32x125x80xi32, #tpu.memory_space<hbm>> -> memref<1x25x80xi32, #tpu.memory_space<hbm>>
          %dma_start3A_228 = tpu.memref_squeeze %dma_start3A_227 : memref<1x25x80xi32, #tpu.memory_space<hbm>> -> memref<25x80xi32, #tpu.memory_space<hbm>>
          %dma_start3A_229 = arith.constant 0 : i32
          %dma_start3A_230 = tpu.memref_slice %arg2[%add3A, %mul3A_223, %dma_start3A_229] : memref<32x125x80xi32, #tpu.memory_space<hbm>> -> memref<1x25x80xi32, #tpu.memory_space<hbm>>
          %dma_start3A_231 = tpu.memref_squeeze %dma_start3A_230 : memref<1x25x80xi32, #tpu.memory_space<hbm>> -> memref<25x80xi32, #tpu.memory_space<hbm>>
          tpu.enqueue_dma source(%dma_start3A_231 : memref<25x80xi32, #tpu.memory_space<hbm>>) target(%arg11 : memref<25x80xi32, #tpu.memory_space<vmem>>) target_semaphore(%run_scoped3A : memref<!tpu.dma_semaphore, #tpu.memory_space<semaphore_mem>>)
          %dma_wait3A_232 = arith.constant 0 : i32
          %dma_wait3A_233 = tpu.memref_slice %arg2[%add3A, %mul3A_223, %dma_wait3A_232] : memref<32x125x80xi32, #tpu.memory_space<hbm>> -> memref<1x25x80xi32, #tpu.memory_space<hbm>>
          %dma_wait3A_234 = tpu.memref_squeeze %dma_wait3A_233 : memref<1x25x80xi32, #tpu.memory_space<hbm>> -> memref<25x80xi32, #tpu.memory_space<hbm>>
          %dma_wait3A_235 = arith.constant 0 : i32
          %dma_wait3A_236 = tpu.memref_slice %arg2[%add3A, %mul3A_223, %dma_wait3A_235] : memref<32x125x80xi32, #tpu.memory_space<hbm>> -> memref<1x25x80xi32, #tpu.memory_space<hbm>>
          %dma_wait3A_237 = tpu.memref_squeeze %dma_wait3A_236 : memref<1x25x80xi32, #tpu.memory_space<hbm>> -> memref<25x80xi32, #tpu.memory_space<hbm>>
          tpu.wait_dma2 semaphore(%run_scoped3A : memref<!tpu.dma_semaphore, #tpu.memory_space<semaphore_mem>>) src(%dma_wait3A_237 : memref<25x80xi32, #tpu.memory_space<hbm>>) dst(%arg11 : memref<25x80xi32, #tpu.memory_space<vmem>>)
          tpu.yield
        }) : () -> ()
        %mul3A_224 = arith.constant 25 : i32
        %mul3A_225 = arith.muli %select_n3A_221, %mul3A_224 : i32
        "tpu.region"() ({
          %run_scoped3A = tpu.sem_alloc : memref<!tpu.dma_semaphore, #tpu.memory_space<semaphore_mem>>
          %dma_start3A_226 = arith.constant 0 : i32
          %dma_start3A_227 = tpu.memref_slice %arg3[%add3A, %mul3A_225, %dma_start3A_226] : memref<32x125x80xi32, #tpu.memory_space<hbm>> -> memref<1x25x80xi32, #tpu.memory_space<hbm>>
          %dma_start3A_228 = tpu.memref_squeeze %dma_start3A_227 : memref<1x25x80xi32, #tpu.memory_space<hbm>> -> memref<25x80xi32, #tpu.memory_space<hbm>>
          %dma_start3A_229 = arith.constant 0 : i32
          %dma_start3A_230 = tpu.memref_slice %arg3[%add3A, %mul3A_225, %dma_start3A_229] : memref<32x125x80xi32, #tpu.memory_space<hbm>> -> memref<1x25x80xi32, #tpu.memory_space<hbm>>
          %dma_start3A_231 = tpu.memref_squeeze %dma_start3A_230 : memref<1x25x80xi32, #tpu.memory_space<hbm>> -> memref<25x80xi32, #tpu.memory_space<hbm>>
          tpu.enqueue_dma source(%dma_start3A_231 : memref<25x80xi32, #tpu.memory_space<hbm>>) target(%arg12 : memref<25x80xi32, #tpu.memory_space<vmem>>) target_semaphore(%run_scoped3A : memref<!tpu.dma_semaphore, #tpu.memory_space<semaphore_mem>>)
          %dma_wait3A_232 = arith.constant 0 : i32
          %dma_wait3A_233 = tpu.memref_slice %arg3[%add3A, %mul3A_225, %dma_wait3A_232] : memref<32x125x80xi32, #tpu.memory_space<hbm>> -> memref<1x25x80xi32, #tpu.memory_space<hbm>>
          %dma_wait3A_234 = tpu.memref_squeeze %dma_wait3A_233 : memref<1x25x80xi32, #tpu.memory_space<hbm>> -> memref<25x80xi32, #tpu.memory_space<hbm>>
          %dma_wait3A_235 = arith.constant 0 : i32
          %dma_wait3A_236 = tpu.memref_slice %arg3[%add3A, %mul3A_225, %dma_wait3A_235] : memref<32x125x80xi32, #tpu.memory_space<hbm>> -> memref<1x25x80xi32, #tpu.memory_space<hbm>>
          %dma_wait3A_237 = tpu.memref_squeeze %dma_wait3A_236 : memref<1x25x80xi32, #tpu.memory_space<hbm>> -> memref<25x80xi32, #tpu.memory_space<hbm>>
          tpu.wait_dma2 semaphore(%run_scoped3A : memref<!tpu.dma_semaphore, #tpu.memory_space<semaphore_mem>>) src(%dma_wait3A_237 : memref<25x80xi32, #tpu.memory_space<hbm>>) dst(%arg12 : memref<25x80xi32, #tpu.memory_space<vmem>>)
          tpu.yield
        }) : () -> ()
      } else {
      }
      %jit3A_169 = arith.constant 25 : i32
      %eq3A_170 = arith.constant 0 : i32
      %eq3A_171 = arith.cmpi eq, %jit3A_169, %eq3A_170 : i32
      %jit3A_172 = arith.constant 1 : i32
      %select_n3A_173 = arith.select %eq3A_171, %jit3A_172, %jit3A_169 : i32
      %rem3A_174 = arith.remsi %add3A_147, %select_n3A_173 : i32
      %ne3A_175 = arith.constant 0 : i32
      %ne3A_176 = arith.cmpi ne, %rem3A_174, %ne3A_175 : i32
      %lt3A_177 = arith.constant 0 : i32
      %lt3A_178 = arith.cmpi slt, %rem3A_174, %lt3A_177 : i32
      %lt3A_179 = arith.constant 0 : i32
      %lt3A_180 = arith.cmpi slt, %select_n3A_173, %lt3A_179 : i32
      %ne3A_181 = arith.xori %lt3A_178, %lt3A_180 : i1
      %and3A_182 = arith.andi %ne3A_181, %ne3A_176 : i1
      %add3A_183 = arith.addi %rem3A_174, %select_n3A_173 : i32
      %select_n3A_184 = arith.select %and3A_182, %add3A_183, %rem3A_174 : i32
      %dma_start3A_185 = arith.constant 0 : i32
      %dma_start3A_186 = tpu.memref_slice %arg11[%select_n3A_184, %dma_start3A_185] : memref<25x80xi32, #tpu.memory_space<vmem>> -> memref<1x80xi32, #tpu.memory_space<vmem>>
      %dma_start3A_187 = tpu.memref_squeeze %dma_start3A_186 : memref<1x80xi32, #tpu.memory_space<vmem>> -> memref<80xi32, #tpu.memory_space<vmem>>
      %dma_start3A_188 = arith.constant 0 : i32
      %dma_start3A_189 = arith.constant 0 : i32
      %dma_start3A_190 = tpu.memref_slice %arg4[%dma_start3A_188, %dma_start3A_189] : memref<10000x128xf32, #tpu.memory_space<hbm>> -> memref<10000x128xf32, #tpu.memory_space<hbm>>
      tpu.enqueue_indirect_dma source(%dma_start3A_190 : memref<10000x128xf32, #tpu.memory_space<hbm>>) target(%arg13 : memref<80x128xf32, #tpu.memory_space<vmem>>) offsets(%dma_start3A_187 : memref<80xi32, #tpu.memory_space<vmem>>) semaphore(%arg20 : memref<!tpu.dma_semaphore, #tpu.memory_space<semaphore_mem>>)
      %dma_wait3A_191 = arith.constant 0 : i32
      %dma_wait3A_192 = arith.constant 0 : i32
      %dma_wait3A_193 = tpu.memref_slice %arg11[%dma_wait3A_191, %dma_wait3A_192] : memref<25x80xi32, #tpu.memory_space<vmem>> -> memref<1x80xi32, #tpu.memory_space<vmem>>
      %dma_wait3A_194 = tpu.memref_squeeze %dma_wait3A_193 : memref<1x80xi32, #tpu.memory_space<vmem>> -> memref<80xi32, #tpu.memory_space<vmem>>
      %dma_wait3A_195 = arith.constant 0 : i32
      %dma_wait3A_196 = arith.constant 0 : i32
      %dma_wait3A_197 = tpu.memref_slice %arg4[%dma_wait3A_195, %dma_wait3A_196] : memref<10000x128xf32, #tpu.memory_space<hbm>> -> memref<10000x128xf32, #tpu.memory_space<hbm>>
      tpu.wait_indirect_dma semaphore(%arg21 : memref<!tpu.dma_semaphore, #tpu.memory_space<semaphore_mem>>) src(%dma_wait3A_197 : memref<10000x128xf32, #tpu.memory_space<hbm>>) dst(%arg14 : memref<80x128xf32, #tpu.memory_space<vmem>>)
      %parallel_loop3A_198 = arith.constant 0 : i32
      %parallel_loop3A_199 = arith.constant 80 : i32
      %parallel_loop3A_200 = arith.constant 1 : i32
      scf.for %parallel_loop3A_201 = %parallel_loop3A_198 to %parallel_loop3A_199 step %parallel_loop3A_200  : i32 {
        %parallel_loop3A_202 = vector.broadcast %parallel_loop3A_201 : i32 to vector<16xi32>
        %parallel_loop3A_203 = tpu.vector_load_idx %arg16[%parallel_loop3A_202] : memref<80xf32, #tpu.memory_space<vmem>>[vector<16xi32>], vector<16xf32>,
        %parallel_loop3A_204 = arith.index_cast %parallel_loop3A_201 : i32 to index
        %parallel_loop3A_205 = arith.constant 0 : index
        %parallel_loop3A_206 = tpu.vector_load %arg14[%parallel_loop3A_204, %parallel_loop3A_205] {strides = array<i32>} : memref<80x128xf32, #tpu.memory_space<vmem>>, vector<16xf32>,
        %parallel_loop3A_207 = arith.mulf %parallel_loop3A_206, %parallel_loop3A_203 : vector<16xf32>
        %parallel_loop3A_208 = arith.index_cast %parallel_loop3A_201 : i32 to index
        %parallel_loop3A_209 = arith.constant 0 : index
        %parallel_loop3A_210 = tpu.vector_load %arg14[%parallel_loop3A_208, %parallel_loop3A_209] {strides = array<i32>} : memref<80x128xf32, #tpu.memory_space<vmem>>, vector<16xf32>,
        tpu.vector_store %arg14[%parallel_loop3A_208, %parallel_loop3A_209], %parallel_loop3A_207 {strides = array<i32>} : memref<80x128xf32, #tpu.memory_space<vmem>>, vector<16xf32>,
        %parallel_loop3A_211 = arith.index_cast %parallel_loop3A_201 : i32 to index
        %parallel_loop3A_212 = arith.constant 16 : index
        %parallel_loop3A_213 = tpu.vector_load %arg14[%parallel_loop3A_211, %parallel_loop3A_212] {strides = array<i32>} : memref<80x128xf32, #tpu.memory_space<vmem>>, vector<16xf32>,
        %parallel_loop3A_214 = arith.mulf %parallel_loop3A_213, %parallel_loop3A_203 : vector<16xf32>
        %parallel_loop3A_215 = arith.index_cast %parallel_loop3A_201 : i32 to index
        %parallel_loop3A_216 = arith.constant 16 : index
        %parallel_loop3A_217 = tpu.vector_load %arg14[%parallel_loop3A_215, %parallel_loop3A_216] {strides = array<i32>} : memref<80x128xf32, #tpu.memory_space<vmem>>, vector<16xf32>,
        tpu.vector_store %arg14[%parallel_loop3A_215, %parallel_loop3A_216], %parallel_loop3A_214 {strides = array<i32>} : memref<80x128xf32, #tpu.memory_space<vmem>>, vector<16xf32>,
        %parallel_loop3A_218 = arith.index_cast %parallel_loop3A_201 : i32 to index
        %parallel_loop3A_219 = arith.constant 32 : index
        %parallel_loop3A_220 = tpu.vector_load %arg14[%parallel_loop3A_218, %parallel_loop3A_219] {strides = array<i32>} : memref<80x128xf32, #tpu.memory_space<vmem>>, vector<16xf32>,
        %parallel_loop3A_221 = arith.mulf %parallel_loop3A_220, %parallel_loop3A_203 : vector<16xf32>
        %parallel_loop3A_222 = arith.index_cast %parallel_loop3A_201 : i32 to index
        %parallel_loop3A_223 = arith.constant 32 : index
        %parallel_loop3A_224 = tpu.vector_load %arg14[%parallel_loop3A_222, %parallel_loop3A_223] {strides = array<i32>} : memref<80x128xf32, #tpu.memory_space<vmem>>, vector<16xf32>,
        tpu.vector_store %arg14[%parallel_loop3A_222, %parallel_loop3A_223], %parallel_loop3A_221 {strides = array<i32>} : memref<80x128xf32, #tpu.memory_space<vmem>>, vector<16xf32>,
        %parallel_loop3A_225 = arith.index_cast %parallel_loop3A_201 : i32 to index
        %parallel_loop3A_226 = arith.constant 48 : index
        %parallel_loop3A_227 = tpu.vector_load %arg14[%parallel_loop3A_225, %parallel_loop3A_226] {strides = array<i32>} : memref<80x128xf32, #tpu.memory_space<vmem>>, vector<16xf32>,
        %parallel_loop3A_228 = arith.mulf %parallel_loop3A_227, %parallel_loop3A_203 : vector<16xf32>
        %parallel_loop3A_229 = arith.index_cast %parallel_loop3A_201 : i32 to index
        %parallel_loop3A_230 = arith.constant 48 : index
        %parallel_loop3A_231 = tpu.vector_load %arg14[%parallel_loop3A_229, %parallel_loop3A_230] {strides = array<i32>} : memref<80x128xf32, #tpu.memory_space<vmem>>, vector<16xf32>,
        tpu.vector_store %arg14[%parallel_loop3A_229, %parallel_loop3A_230], %parallel_loop3A_228 {strides = array<i32>} : memref<80x128xf32, #tpu.memory_space<vmem>>, vector<16xf32>,
        %parallel_loop3A_232 = arith.index_cast %parallel_loop3A_201 : i32 to index
        %parallel_loop3A_233 = arith.constant 64 : index
        %parallel_loop3A_234 = tpu.vector_load %arg14[%parallel_loop3A_232, %parallel_loop3A_233] {strides = array<i32>} : memref<80x128xf32, #tpu.memory_space<vmem>>, vector<16xf32>,
        %parallel_loop3A_235 = arith.mulf %parallel_loop3A_234, %parallel_loop3A_203 : vector<16xf32>
        %parallel_loop3A_236 = arith.index_cast %parallel_loop3A_201 : i32 to index
        %parallel_loop3A_237 = arith.constant 64 : index
        %parallel_loop3A_238 = tpu.vector_load %arg14[%parallel_loop3A_236, %parallel_loop3A_237] {strides = array<i32>} : memref<80x128xf32, #tpu.memory_space<vmem>>, vector<16xf32>,
        tpu.vector_store %arg14[%parallel_loop3A_236, %parallel_loop3A_237], %parallel_loop3A_235 {strides = array<i32>} : memref<80x128xf32, #tpu.memory_space<vmem>>, vector<16xf32>,
        %parallel_loop3A_239 = arith.index_cast %parallel_loop3A_201 : i32 to index
        %parallel_loop3A_240 = arith.constant 80 : index
        %parallel_loop3A_241 = tpu.vector_load %arg14[%parallel_loop3A_239, %parallel_loop3A_240] {strides = array<i32>} : memref<80x128xf32, #tpu.memory_space<vmem>>, vector<16xf32>,
        %parallel_loop3A_242 = arith.mulf %parallel_loop3A_241, %parallel_loop3A_203 : vector<16xf32>
        %parallel_loop3A_243 = arith.index_cast %parallel_loop3A_201 : i32 to index
        %parallel_loop3A_244 = arith.constant 80 : index
        %parallel_loop3A_245 = tpu.vector_load %arg14[%parallel_loop3A_243, %parallel_loop3A_244] {strides = array<i32>} : memref<80x128xf32, #tpu.memory_space<vmem>>, vector<16xf32>,
        tpu.vector_store %arg14[%parallel_loop3A_243, %parallel_loop3A_244], %parallel_loop3A_242 {strides = array<i32>} : memref<80x128xf32, #tpu.memory_space<vmem>>, vector<16xf32>,
        %parallel_loop3A_246 = arith.index_cast %parallel_loop3A_201 : i32 to index
        %parallel_loop3A_247 = arith.constant 96 : index
        %parallel_loop3A_248 = tpu.vector_load %arg14[%parallel_loop3A_246, %parallel_loop3A_247] {strides = array<i32>} : memref<80x128xf32, #tpu.memory_space<vmem>>, vector<16xf32>,
        %parallel_loop3A_249 = arith.mulf %parallel_loop3A_248, %parallel_loop3A_203 : vector<16xf32>
        %parallel_loop3A_250 = arith.index_cast %parallel_loop3A_201 : i32 to index
        %parallel_loop3A_251 = arith.constant 96 : index
        %parallel_loop3A_252 = tpu.vector_load %arg14[%parallel_loop3A_250, %parallel_loop3A_251] {strides = array<i32>} : memref<80x128xf32, #tpu.memory_space<vmem>>, vector<16xf32>,
        tpu.vector_store %arg14[%parallel_loop3A_250, %parallel_loop3A_251], %parallel_loop3A_249 {strides = array<i32>} : memref<80x128xf32, #tpu.memory_space<vmem>>, vector<16xf32>,
        %parallel_loop3A_253 = arith.index_cast %parallel_loop3A_201 : i32 to index
        %parallel_loop3A_254 = arith.constant 112 : index
        %parallel_loop3A_255 = tpu.vector_load %arg14[%parallel_loop3A_253, %parallel_loop3A_254] {strides = array<i32>} : memref<80x128xf32, #tpu.memory_space<vmem>>, vector<16xf32>,
        %parallel_loop3A_256 = arith.mulf %parallel_loop3A_255, %parallel_loop3A_203 : vector<16xf32>
        %parallel_loop3A_257 = arith.index_cast %parallel_loop3A_201 : i32 to index
        %parallel_loop3A_258 = arith.constant 112 : index
        %parallel_loop3A_259 = tpu.vector_load %arg14[%parallel_loop3A_257, %parallel_loop3A_258] {strides = array<i32>} : memref<80x128xf32, #tpu.memory_space<vmem>>, vector<16xf32>,
        tpu.vector_store %arg14[%parallel_loop3A_257, %parallel_loop3A_258], %parallel_loop3A_256 {strides = array<i32>} : memref<80x128xf32, #tpu.memory_space<vmem>>, vector<16xf32>,
        %parallel_loop3A_260 = arith.mulf %parallel_loop3A_203, %select_n3A : vector<16xf32>
        %parallel_loop3A_261 = arith.index_cast %parallel_loop3A_201 : i32 to index
        %parallel_loop3A_262 = arith.constant 0 : index
        %parallel_loop3A_263 = tpu.vector_load %arg15[%parallel_loop3A_261, %parallel_loop3A_262] {strides = array<i32>} : memref<80x16xf32, #tpu.memory_space<vmem>>, vector<16xf32>,
        tpu.vector_store %arg15[%parallel_loop3A_261, %parallel_loop3A_262], %parallel_loop3A_260 {strides = array<i32>} : memref<80x16xf32, #tpu.memory_space<vmem>>, vector<16xf32>,
      } {sc.loop_unroll_factor = 4 : i64, sc.parallel_access}
      "tpu.region"() ({
        %run_scoped3A = tpu.sem_alloc : memref<!tpu.dma_semaphore, #tpu.memory_space<semaphore_mem>>
        %dma_start3A_201 = arith.constant 0 : i32
        %dma_start3A_202 = arith.constant 0 : i32
        %dma_start3A_203 = tpu.memref_slice %arg18[%dma_start3A_201, %dma_start3A_202] : memref<10240x128xf32, #tpu.memory_space<vmem_shared>> -> memref<10240x128xf32, #tpu.memory_space<vmem_shared>>
        tpu.enqueue_indirect_dma source(%arg14 : memref<80x128xf32, #tpu.memory_space<vmem>>) target(%dma_start3A_203 : memref<10240x128xf32, #tpu.memory_space<vmem_shared>>) offsets(%arg17 : memref<80xi32, #tpu.memory_space<vmem>>) semaphore(%run_scoped3A : memref<!tpu.dma_semaphore, #tpu.memory_space<semaphore_mem>>) {add = true}
        %dma_wait3A_204 = arith.constant 0 : i32
        %dma_wait3A_205 = arith.constant 0 : i32
        %dma_wait3A_206 = tpu.memref_slice %arg18[%dma_wait3A_204, %dma_wait3A_205] : memref<10240x128xf32, #tpu.memory_space<vmem_shared>> -> memref<10240x128xf32, #tpu.memory_space<vmem_shared>>
        tpu.wait_indirect_dma semaphore(%run_scoped3A : memref<!tpu.dma_semaphore, #tpu.memory_space<semaphore_mem>>) src(%arg14 : memref<80x128xf32, #tpu.memory_space<vmem>>) dst(%dma_wait3A_206 : memref<10240x128xf32, #tpu.memory_space<vmem_shared>>)
        tpu.yield
      }) : () -> ()
      "tpu.region"() ({
        %run_scoped3A = tpu.sem_alloc : memref<!tpu.dma_semaphore, #tpu.memory_space<semaphore_mem>>
        %dma_start3A_201 = arith.constant 0 : i32
        %dma_start3A_202 = arith.constant 0 : i32
        %dma_start3A_203 = tpu.memref_slice %arg19[%dma_start3A_201, %dma_start3A_202] : memref<10240x16xf32, #tpu.memory_space<vmem_shared>> -> memref<10240x16xf32, #tpu.memory_space<vmem_shared>>
        tpu.enqueue_indirect_dma source(%arg15 : memref<80x16xf32, #tpu.memory_space<vmem>>) target(%dma_start3A_203 : memref<10240x16xf32, #tpu.memory_space<vmem_shared>>) offsets(%arg17 : memref<80xi32, #tpu.memory_space<vmem>>) semaphore(%run_scoped3A : memref<!tpu.dma_semaphore, #tpu.memory_space<semaphore_mem>>) {add = true}
        %dma_wait3A_204 = arith.constant 0 : i32
        %dma_wait3A_205 = arith.constant 0 : i32
        %dma_wait3A_206 = tpu.memref_slice %arg19[%dma_wait3A_204, %dma_wait3A_205] : memref<10240x16xf32, #tpu.memory_space<vmem_shared>> -> memref<10240x16xf32, #tpu.memory_space<vmem_shared>>
        tpu.wait_indirect_dma semaphore(%run_scoped3A : memref<!tpu.dma_semaphore, #tpu.memory_space<semaphore_mem>>) src(%arg15 : memref<80x16xf32, #tpu.memory_space<vmem>>) dst(%dma_wait3A_206 : memref<10240x16xf32, #tpu.memory_space<vmem_shared>>)
        tpu.yield
      }) : () -> ()
    }
    %scan3A_29 = arith.constant 62 : i32
    %parallel_loop3A = arith.constant 0 : i32
    %parallel_loop3A_30 = arith.constant 80 : i32
    %parallel_loop3A_31 = arith.constant 16 : i32
    scf.for %parallel_loop3A_50 = %parallel_loop3A to %parallel_loop3A_30 step %parallel_loop3A_31  : i32 {
      %parallel_loop3A_51 = arith.constant 24 : i32
      %parallel_loop3A_52 = arith.index_cast %parallel_loop3A_51 : i32 to index
      %parallel_loop3A_53 = arith.index_cast %parallel_loop3A_50 : i32 to index
      %parallel_loop3A_54 = tpu.vector_load %arg11[%parallel_loop3A_52, %parallel_loop3A_53] {strides = array<i32>} : memref<25x80xi32, #tpu.memory_space<vmem>>, vector<16xi32>,
      %parallel_loop3A_55 = arith.constant 24 : i32
      %parallel_loop3A_56 = arith.index_cast %parallel_loop3A_55 : i32 to index
      %parallel_loop3A_57 = arith.index_cast %parallel_loop3A_50 : i32 to index
      %parallel_loop3A_58 = tpu.vector_load %arg12[%parallel_loop3A_56, %parallel_loop3A_57] {strides = array<i32>} : memref<25x80xi32, #tpu.memory_space<vmem>>, vector<16xi32>,
      %parallel_loop3A_59 = tpu.vector_load_idx %arg9[%parallel_loop3A_54] : memref<10000xi32, #tpu.memory_space<vmem>>[vector<16xi32>], vector<16xi32>,
      %parallel_loop3A_60 = tpu.vector_load_idx %arg9[%parallel_loop3A_58] : memref<10000xi32, #tpu.memory_space<vmem>>[vector<16xi32>], vector<16xi32>,
      %parallel_loop3A_61 = arith.constant 16 : i32
      %parallel_loop3A_62 = vector.broadcast %parallel_loop3A_61 : i32 to vector<16xi32>
      %parallel_loop3A_63 = arith.shli %parallel_loop3A_59, %parallel_loop3A_62 : vector<16xi32>
      %parallel_loop3A_64 = vector.bitcast %parallel_loop3A_63 : vector<16xi32> to vector<16xf32>
      %parallel_loop3A_65 = arith.andi %parallel_loop3A_60, %broadcast_in_dim3A_18 : vector<16xi32>
      %parallel_loop3A_66 = vector.bitcast %parallel_loop3A_65 : vector<16xi32> to vector<16xf32>
      %parallel_loop3A_67 = arith.addf %parallel_loop3A_64, %parallel_loop3A_66 : vector<16xf32>
      %parallel_loop3A_68 = arith.constant 0.000000e+00 : f32
      %parallel_loop3A_69 = vector.broadcast %parallel_loop3A_68 : f32 to vector<16xf32>
      %parallel_loop3A_70 = arith.cmpf oge, %parallel_loop3A_67, %parallel_loop3A_69 : vector<16xf32>
      %parallel_loop3A_71 = arith.constant 2.000000e-01 : f32
      %parallel_loop3A_72 = vector.broadcast %parallel_loop3A_71 : f32 to vector<16xf32>
      %parallel_loop3A_73 = arith.mulf %parallel_loop3A_72, %parallel_loop3A_67 : vector<16xf32>
      %parallel_loop3A_74 = arith.select %parallel_loop3A_70, %parallel_loop3A_67, %parallel_loop3A_73 : vector<16xi1>, vector<16xf32>
      %parallel_loop3A_75 = arith.subf %parallel_loop3A_74, %get3A_11 : vector<16xf32>
      %parallel_loop3A_76 = math.exp %parallel_loop3A_75 : vector<16xf32>
      %parallel_loop3A_77 = arith.index_cast %parallel_loop3A_50 : i32 to index
      %parallel_loop3A_78 = tpu.vector_load %arg16[%parallel_loop3A_77] {strides = array<i32>} : memref<80xf32, #tpu.memory_space<vmem>>, vector<16xf32>,
      tpu.vector_store %arg16[%parallel_loop3A_77], %parallel_loop3A_76 {strides = array<i32>} : memref<80xf32, #tpu.memory_space<vmem>>, vector<16xf32>,
      %parallel_loop3A_79 = arith.index_cast %parallel_loop3A_50 : i32 to index
      %parallel_loop3A_80 = tpu.vector_load %arg17[%parallel_loop3A_79] {strides = array<i32>} : memref<80xi32, #tpu.memory_space<vmem>>, vector<16xi32>,
      tpu.vector_store %arg17[%parallel_loop3A_79], %parallel_loop3A_58 {strides = array<i32>} : memref<80xi32, #tpu.memory_space<vmem>>, vector<16xi32>,
    } {sc.loop_unroll_factor = 5 : i64, sc.parallel_access}
    %dma_wait3A = arith.constant 0 : i32
    %dma_wait3A_32 = arith.constant 0 : i32
    %dma_wait3A_33 = tpu.memref_slice %arg11[%dma_wait3A, %dma_wait3A_32] : memref<25x80xi32, #tpu.memory_space<vmem>> -> memref<1x80xi32, #tpu.memory_space<vmem>>
    %dma_wait3A_34 = tpu.memref_squeeze %dma_wait3A_33 : memref<1x80xi32, #tpu.memory_space<vmem>> -> memref<80xi32, #tpu.memory_space<vmem>>
    %dma_wait3A_35 = arith.constant 0 : i32
    %dma_wait3A_36 = arith.constant 0 : i32
    %dma_wait3A_37 = tpu.memref_slice %arg4[%dma_wait3A_35, %dma_wait3A_36] : memref<10000x128xf32, #tpu.memory_space<hbm>> -> memref<10000x128xf32, #tpu.memory_space<hbm>>
    tpu.wait_indirect_dma semaphore(%arg20 : memref<!tpu.dma_semaphore, #tpu.memory_space<semaphore_mem>>) src(%dma_wait3A_37 : memref<10000x128xf32, #tpu.memory_space<hbm>>) dst(%arg13 : memref<80x128xf32, #tpu.memory_space<vmem>>)
    %parallel_loop3A_38 = arith.constant 0 : i32
    %parallel_loop3A_39 = arith.constant 80 : i32
    %parallel_loop3A_40 = arith.constant 1 : i32
    scf.for %parallel_loop3A_50 = %parallel_loop3A_38 to %parallel_loop3A_39 step %parallel_loop3A_40  : i32 {
      %parallel_loop3A_51 = vector.broadcast %parallel_loop3A_50 : i32 to vector<16xi32>
      %parallel_loop3A_52 = tpu.vector_load_idx %arg16[%parallel_loop3A_51] : memref<80xf32, #tpu.memory_space<vmem>>[vector<16xi32>], vector<16xf32>,
      %parallel_loop3A_53 = arith.index_cast %parallel_loop3A_50 : i32 to index
      %parallel_loop3A_54 = arith.constant 0 : index
      %parallel_loop3A_55 = tpu.vector_load %arg13[%parallel_loop3A_53, %parallel_loop3A_54] {strides = array<i32>} : memref<80x128xf32, #tpu.memory_space<vmem>>, vector<16xf32>,
      %parallel_loop3A_56 = arith.mulf %parallel_loop3A_55, %parallel_loop3A_52 : vector<16xf32>
      %parallel_loop3A_57 = arith.index_cast %parallel_loop3A_50 : i32 to index
      %parallel_loop3A_58 = arith.constant 0 : index
      %parallel_loop3A_59 = tpu.vector_load %arg13[%parallel_loop3A_57, %parallel_loop3A_58] {strides = array<i32>} : memref<80x128xf32, #tpu.memory_space<vmem>>, vector<16xf32>,
      tpu.vector_store %arg13[%parallel_loop3A_57, %parallel_loop3A_58], %parallel_loop3A_56 {strides = array<i32>} : memref<80x128xf32, #tpu.memory_space<vmem>>, vector<16xf32>,
      %parallel_loop3A_60 = arith.index_cast %parallel_loop3A_50 : i32 to index
      %parallel_loop3A_61 = arith.constant 16 : index
      %parallel_loop3A_62 = tpu.vector_load %arg13[%parallel_loop3A_60, %parallel_loop3A_61] {strides = array<i32>} : memref<80x128xf32, #tpu.memory_space<vmem>>, vector<16xf32>,
      %parallel_loop3A_63 = arith.mulf %parallel_loop3A_62, %parallel_loop3A_52 : vector<16xf32>
      %parallel_loop3A_64 = arith.index_cast %parallel_loop3A_50 : i32 to index
      %parallel_loop3A_65 = arith.constant 16 : index
      %parallel_loop3A_66 = tpu.vector_load %arg13[%parallel_loop3A_64, %parallel_loop3A_65] {strides = array<i32>} : memref<80x128xf32, #tpu.memory_space<vmem>>, vector<16xf32>,
      tpu.vector_store %arg13[%parallel_loop3A_64, %parallel_loop3A_65], %parallel_loop3A_63 {strides = array<i32>} : memref<80x128xf32, #tpu.memory_space<vmem>>, vector<16xf32>,
      %parallel_loop3A_67 = arith.index_cast %parallel_loop3A_50 : i32 to index
      %parallel_loop3A_68 = arith.constant 32 : index
      %parallel_loop3A_69 = tpu.vector_load %arg13[%parallel_loop3A_67, %parallel_loop3A_68] {strides = array<i32>} : memref<80x128xf32, #tpu.memory_space<vmem>>, vector<16xf32>,
      %parallel_loop3A_70 = arith.mulf %parallel_loop3A_69, %parallel_loop3A_52 : vector<16xf32>
      %parallel_loop3A_71 = arith.index_cast %parallel_loop3A_50 : i32 to index
      %parallel_loop3A_72 = arith.constant 32 : index
      %parallel_loop3A_73 = tpu.vector_load %arg13[%parallel_loop3A_71, %parallel_loop3A_72] {strides = array<i32>} : memref<80x128xf32, #tpu.memory_space<vmem>>, vector<16xf32>,
      tpu.vector_store %arg13[%parallel_loop3A_71, %parallel_loop3A_72], %parallel_loop3A_70 {strides = array<i32>} : memref<80x128xf32, #tpu.memory_space<vmem>>, vector<16xf32>,
      %parallel_loop3A_74 = arith.index_cast %parallel_loop3A_50 : i32 to index
      %parallel_loop3A_75 = arith.constant 48 : index
      %parallel_loop3A_76 = tpu.vector_load %arg13[%parallel_loop3A_74, %parallel_loop3A_75] {strides = array<i32>} : memref<80x128xf32, #tpu.memory_space<vmem>>, vector<16xf32>,
      %parallel_loop3A_77 = arith.mulf %parallel_loop3A_76, %parallel_loop3A_52 : vector<16xf32>
      %parallel_loop3A_78 = arith.index_cast %parallel_loop3A_50 : i32 to index
      %parallel_loop3A_79 = arith.constant 48 : index
      %parallel_loop3A_80 = tpu.vector_load %arg13[%parallel_loop3A_78, %parallel_loop3A_79] {strides = array<i32>} : memref<80x128xf32, #tpu.memory_space<vmem>>, vector<16xf32>,
      tpu.vector_store %arg13[%parallel_loop3A_78, %parallel_loop3A_79], %parallel_loop3A_77 {strides = array<i32>} : memref<80x128xf32, #tpu.memory_space<vmem>>, vector<16xf32>,
      %parallel_loop3A_81 = arith.index_cast %parallel_loop3A_50 : i32 to index
      %parallel_loop3A_82 = arith.constant 64 : index
      %parallel_loop3A_83 = tpu.vector_load %arg13[%parallel_loop3A_81, %parallel_loop3A_82] {strides = array<i32>} : memref<80x128xf32, #tpu.memory_space<vmem>>, vector<16xf32>,
      %parallel_loop3A_84 = arith.mulf %parallel_loop3A_83, %parallel_loop3A_52 : vector<16xf32>
      %parallel_loop3A_85 = arith.index_cast %parallel_loop3A_50 : i32 to index
      %parallel_loop3A_86 = arith.constant 64 : index
      %parallel_loop3A_87 = tpu.vector_load %arg13[%parallel_loop3A_85, %parallel_loop3A_86] {strides = array<i32>} : memref<80x128xf32, #tpu.memory_space<vmem>>, vector<16xf32>,
      tpu.vector_store %arg13[%parallel_loop3A_85, %parallel_loop3A_86], %parallel_loop3A_84 {strides = array<i32>} : memref<80x128xf32, #tpu.memory_space<vmem>>, vector<16xf32>,
      %parallel_loop3A_88 = arith.index_cast %parallel_loop3A_50 : i32 to index
      %parallel_loop3A_89 = arith.constant 80 : index
      %parallel_loop3A_90 = tpu.vector_load %arg13[%parallel_loop3A_88, %parallel_loop3A_89] {strides = array<i32>} : memref<80x128xf32, #tpu.memory_space<vmem>>, vector<16xf32>,
      %parallel_loop3A_91 = arith.mulf %parallel_loop3A_90, %parallel_loop3A_52 : vector<16xf32>
      %parallel_loop3A_92 = arith.index_cast %parallel_loop3A_50 : i32 to index
      %parallel_loop3A_93 = arith.constant 80 : index
      %parallel_loop3A_94 = tpu.vector_load %arg13[%parallel_loop3A_92, %parallel_loop3A_93] {strides = array<i32>} : memref<80x128xf32, #tpu.memory_space<vmem>>, vector<16xf32>,
      tpu.vector_store %arg13[%parallel_loop3A_92, %parallel_loop3A_93], %parallel_loop3A_91 {strides = array<i32>} : memref<80x128xf32, #tpu.memory_space<vmem>>, vector<16xf32>,
      %parallel_loop3A_95 = arith.index_cast %parallel_loop3A_50 : i32 to index
      %parallel_loop3A_96 = arith.constant 96 : index
      %parallel_loop3A_97 = tpu.vector_load %arg13[%parallel_loop3A_95, %parallel_loop3A_96] {strides = array<i32>} : memref<80x128xf32, #tpu.memory_space<vmem>>, vector<16xf32>,
      %parallel_loop3A_98 = arith.mulf %parallel_loop3A_97, %parallel_loop3A_52 : vector<16xf32>
      %parallel_loop3A_99 = arith.index_cast %parallel_loop3A_50 : i32 to index
      %parallel_loop3A_100 = arith.constant 96 : index
      %parallel_loop3A_101 = tpu.vector_load %arg13[%parallel_loop3A_99, %parallel_loop3A_100] {strides = array<i32>} : memref<80x128xf32, #tpu.memory_space<vmem>>, vector<16xf32>,
      tpu.vector_store %arg13[%parallel_loop3A_99, %parallel_loop3A_100], %parallel_loop3A_98 {strides = array<i32>} : memref<80x128xf32, #tpu.memory_space<vmem>>, vector<16xf32>,
      %parallel_loop3A_102 = arith.index_cast %parallel_loop3A_50 : i32 to index
      %parallel_loop3A_103 = arith.constant 112 : index
      %parallel_loop3A_104 = tpu.vector_load %arg13[%parallel_loop3A_102, %parallel_loop3A_103] {strides = array<i32>} : memref<80x128xf32, #tpu.memory_space<vmem>>, vector<16xf32>,
      %parallel_loop3A_105 = arith.mulf %parallel_loop3A_104, %parallel_loop3A_52 : vector<16xf32>
      %parallel_loop3A_106 = arith.index_cast %parallel_loop3A_50 : i32 to index
      %parallel_loop3A_107 = arith.constant 112 : index
      %parallel_loop3A_108 = tpu.vector_load %arg13[%parallel_loop3A_106, %parallel_loop3A_107] {strides = array<i32>} : memref<80x128xf32, #tpu.memory_space<vmem>>, vector<16xf32>,
      tpu.vector_store %arg13[%parallel_loop3A_106, %parallel_loop3A_107], %parallel_loop3A_105 {strides = array<i32>} : memref<80x128xf32, #tpu.memory_space<vmem>>, vector<16xf32>,
      %parallel_loop3A_109 = arith.mulf %parallel_loop3A_52, %select_n3A : vector<16xf32>
      %parallel_loop3A_110 = arith.index_cast %parallel_loop3A_50 : i32 to index
      %parallel_loop3A_111 = arith.constant 0 : index
      %parallel_loop3A_112 = tpu.vector_load %arg15[%parallel_loop3A_110, %parallel_loop3A_111] {strides = array<i32>} : memref<80x16xf32, #tpu.memory_space<vmem>>, vector<16xf32>,
      tpu.vector_store %arg15[%parallel_loop3A_110, %parallel_loop3A_111], %parallel_loop3A_109 {strides = array<i32>} : memref<80x16xf32, #tpu.memory_space<vmem>>, vector<16xf32>,
    } {sc.loop_unroll_factor = 4 : i64, sc.parallel_access}
    "tpu.region"() ({
      %run_scoped3A = tpu.sem_alloc : memref<!tpu.dma_semaphore, #tpu.memory_space<semaphore_mem>>
      %dma_start3A_50 = arith.constant 0 : i32
      %dma_start3A_51 = arith.constant 0 : i32
      %dma_start3A_52 = tpu.memref_slice %arg18[%dma_start3A_50, %dma_start3A_51] : memref<10240x128xf32, #tpu.memory_space<vmem_shared>> -> memref<10240x128xf32, #tpu.memory_space<vmem_shared>>
      tpu.enqueue_indirect_dma source(%arg13 : memref<80x128xf32, #tpu.memory_space<vmem>>) target(%dma_start3A_52 : memref<10240x128xf32, #tpu.memory_space<vmem_shared>>) offsets(%arg17 : memref<80xi32, #tpu.memory_space<vmem>>) semaphore(%run_scoped3A : memref<!tpu.dma_semaphore, #tpu.memory_space<semaphore_mem>>) {add = true}
      %dma_wait3A_53 = arith.constant 0 : i32
      %dma_wait3A_54 = arith.constant 0 : i32
      %dma_wait3A_55 = tpu.memref_slice %arg18[%dma_wait3A_53, %dma_wait3A_54] : memref<10240x128xf32, #tpu.memory_space<vmem_shared>> -> memref<10240x128xf32, #tpu.memory_space<vmem_shared>>
      tpu.wait_indirect_dma semaphore(%run_scoped3A : memref<!tpu.dma_semaphore, #tpu.memory_space<semaphore_mem>>) src(%arg13 : memref<80x128xf32, #tpu.memory_space<vmem>>) dst(%dma_wait3A_55 : memref<10240x128xf32, #tpu.memory_space<vmem_shared>>)
      tpu.yield
    }) : () -> ()
    "tpu.region"() ({
      %run_scoped3A = tpu.sem_alloc : memref<!tpu.dma_semaphore, #tpu.memory_space<semaphore_mem>>
      %dma_start3A_50 = arith.constant 0 : i32
      %dma_start3A_51 = arith.constant 0 : i32
      %dma_start3A_52 = tpu.memref_slice %arg19[%dma_start3A_50, %dma_start3A_51] : memref<10240x16xf32, #tpu.memory_space<vmem_shared>> -> memref<10240x16xf32, #tpu.memory_space<vmem_shared>>
      tpu.enqueue_indirect_dma source(%arg15 : memref<80x16xf32, #tpu.memory_space<vmem>>) target(%dma_start3A_52 : memref<10240x16xf32, #tpu.memory_space<vmem_shared>>) offsets(%arg17 : memref<80xi32, #tpu.memory_space<vmem>>) semaphore(%run_scoped3A : memref<!tpu.dma_semaphore, #tpu.memory_space<semaphore_mem>>) {add = true}
      %dma_wait3A_53 = arith.constant 0 : i32
      %dma_wait3A_54 = arith.constant 0 : i32
      %dma_wait3A_55 = tpu.memref_slice %arg19[%dma_wait3A_53, %dma_wait3A_54] : memref<10240x16xf32, #tpu.memory_space<vmem_shared>> -> memref<10240x16xf32, #tpu.memory_space<vmem_shared>>
      tpu.wait_indirect_dma semaphore(%run_scoped3A : memref<!tpu.dma_semaphore, #tpu.memory_space<semaphore_mem>>) src(%arg15 : memref<80x16xf32, #tpu.memory_space<vmem>>) dst(%dma_wait3A_55 : memref<10240x16xf32, #tpu.memory_space<vmem_shared>>)
      tpu.yield
    }) : () -> ()
    %barrier3A_41 = arith.constant 0 : index
    tpu.barrier barrier_id(%barrier3A_41)
    %mul3A_42 = arith.constant 640 : i32
    %mul3A_43 = arith.muli %arg1, %mul3A_42 : i32
    %mul3A_44 = arith.constant 640 : i32
    %mul3A_45 = arith.muli %arg1, %mul3A_44 : i32
    "tpu.region"() ({
      %run_scoped3A = tpu.sem_alloc : memref<!tpu.dma_semaphore, #tpu.memory_space<semaphore_mem>>
      %dma_start3A_50 = arith.constant 0 : i32
      %dma_start3A_51 = arith.constant 0 : i32
      %dma_start3A_52 = tpu.memref_slice %arg7[%arg0, %dma_start3A_50, %dma_start3A_51] : memref<2x10240x128xf32, #tpu.memory_space<hbm>> -> memref<1x10240x128xf32, #tpu.memory_space<hbm>>
      %dma_start3A_53 = tpu.memref_squeeze %dma_start3A_52 : memref<1x10240x128xf32, #tpu.memory_space<hbm>> -> memref<10240x128xf32, #tpu.memory_space<hbm>>
      %dma_start3A_54 = arith.constant 0 : i32
      %dma_start3A_55 = tpu.memref_slice %dma_start3A_53[%mul3A_45, %dma_start3A_54] : memref<10240x128xf32, #tpu.memory_space<hbm>> -> memref<640x128xf32, #tpu.memory_space<hbm>>
      %dma_start3A_56 = arith.constant 0 : i32
      %dma_start3A_57 = tpu.memref_slice %arg18[%mul3A_43, %dma_start3A_56] : memref<10240x128xf32, #tpu.memory_space<vmem_shared>> -> memref<640x128xf32, #tpu.memory_space<vmem_shared>>
      tpu.enqueue_dma source(%dma_start3A_57 : memref<640x128xf32, #tpu.memory_space<vmem_shared>>) target(%dma_start3A_55 : memref<640x128xf32, #tpu.memory_space<hbm>>) target_semaphore(%run_scoped3A : memref<!tpu.dma_semaphore, #tpu.memory_space<semaphore_mem>>)
      %dma_wait3A_58 = arith.constant 0 : i32
      %dma_wait3A_59 = arith.constant 0 : i32
      %dma_wait3A_60 = tpu.memref_slice %arg7[%arg0, %dma_wait3A_58, %dma_wait3A_59] : memref<2x10240x128xf32, #tpu.memory_space<hbm>> -> memref<1x10240x128xf32, #tpu.memory_space<hbm>>
      %dma_wait3A_61 = tpu.memref_squeeze %dma_wait3A_60 : memref<1x10240x128xf32, #tpu.memory_space<hbm>> -> memref<10240x128xf32, #tpu.memory_space<hbm>>
      %dma_wait3A_62 = arith.constant 0 : i32
      %dma_wait3A_63 = tpu.memref_slice %dma_wait3A_61[%mul3A_45, %dma_wait3A_62] : memref<10240x128xf32, #tpu.memory_space<hbm>> -> memref<640x128xf32, #tpu.memory_space<hbm>>
      %dma_wait3A_64 = arith.constant 0 : i32
      %dma_wait3A_65 = tpu.memref_slice %arg18[%mul3A_43, %dma_wait3A_64] : memref<10240x128xf32, #tpu.memory_space<vmem_shared>> -> memref<640x128xf32, #tpu.memory_space<vmem_shared>>
      tpu.wait_dma2 semaphore(%run_scoped3A : memref<!tpu.dma_semaphore, #tpu.memory_space<semaphore_mem>>) src(%dma_wait3A_65 : memref<640x128xf32, #tpu.memory_space<vmem_shared>>) dst(%dma_wait3A_63 : memref<640x128xf32, #tpu.memory_space<hbm>>)
      tpu.yield
    }) : () -> ()
    %mul3A_46 = arith.constant 640 : i32
    %mul3A_47 = arith.muli %arg1, %mul3A_46 : i32
    %mul3A_48 = arith.constant 640 : i32
    %mul3A_49 = arith.muli %arg1, %mul3A_48 : i32
    "tpu.region"() ({
      %run_scoped3A = tpu.sem_alloc : memref<!tpu.dma_semaphore, #tpu.memory_space<semaphore_mem>>
      %dma_start3A_50 = arith.constant 0 : i32
      %dma_start3A_51 = arith.constant 0 : i32
      %dma_start3A_52 = tpu.memref_slice %arg8[%arg0, %dma_start3A_50, %dma_start3A_51] : memref<2x10240x16xf32, #tpu.memory_space<hbm>> -> memref<1x10240x16xf32, #tpu.memory_space<hbm>>
      %dma_start3A_53 = tpu.memref_squeeze %dma_start3A_52 : memref<1x10240x16xf32, #tpu.memory_space<hbm>> -> memref<10240x16xf32, #tpu.memory_space<hbm>>
      %dma_start3A_54 = arith.constant 0 : i32
      %dma_start3A_55 = tpu.memref_slice %dma_start3A_53[%mul3A_49, %dma_start3A_54] : memref<10240x16xf32, #tpu.memory_space<hbm>> -> memref<640x16xf32, #tpu.memory_space<hbm>>
      %dma_start3A_56 = arith.constant 0 : i32
      %dma_start3A_57 = tpu.memref_slice %arg19[%mul3A_47, %dma_start3A_56] : memref<10240x16xf32, #tpu.memory_space<vmem_shared>> -> memref<640x16xf32, #tpu.memory_space<vmem_shared>>
      tpu.enqueue_dma source(%dma_start3A_57 : memref<640x16xf32, #tpu.memory_space<vmem_shared>>) target(%dma_start3A_55 : memref<640x16xf32, #tpu.memory_space<hbm>>) target_semaphore(%run_scoped3A : memref<!tpu.dma_semaphore, #tpu.memory_space<semaphore_mem>>)
      %dma_wait3A_58 = arith.constant 0 : i32
      %dma_wait3A_59 = arith.constant 0 : i32
      %dma_wait3A_60 = tpu.memref_slice %arg8[%arg0, %dma_wait3A_58, %dma_wait3A_59] : memref<2x10240x16xf32, #tpu.memory_space<hbm>> -> memref<1x10240x16xf32, #tpu.memory_space<hbm>>
      %dma_wait3A_61 = tpu.memref_squeeze %dma_wait3A_60 : memref<1x10240x16xf32, #tpu.memory_space<hbm>> -> memref<10240x16xf32, #tpu.memory_space<hbm>>
      %dma_wait3A_62 = arith.constant 0 : i32
      %dma_wait3A_63 = tpu.memref_slice %dma_wait3A_61[%mul3A_49, %dma_wait3A_62] : memref<10240x16xf32, #tpu.memory_space<hbm>> -> memref<640x16xf32, #tpu.memory_space<hbm>>
      %dma_wait3A_64 = arith.constant 0 : i32
      %dma_wait3A_65 = tpu.memref_slice %arg19[%mul3A_47, %dma_wait3A_64] : memref<10240x16xf32, #tpu.memory_space<vmem_shared>> -> memref<640x16xf32, #tpu.memory_space<vmem_shared>>
      tpu.wait_dma2 semaphore(%run_scoped3A : memref<!tpu.dma_semaphore, #tpu.memory_space<semaphore_mem>>) src(%dma_wait3A_65 : memref<640x16xf32, #tpu.memory_space<vmem_shared>>) dst(%dma_wait3A_63 : memref<640x16xf32, #tpu.memory_space<hbm>>)
      tpu.yield
    }) : () -> ()
    return
  }
}

module attributes {stable_mosaic.version = 14 : i64} {
  func.func @_prep_body(%arg0: memref<10000x128xf32, #tpu.memory_space<vmem>>, %arg1: memref<128x128xf32, #tpu.memory_space<vmem>>, %arg2: memref<1x128xf32, #tpu.memory_space<vmem>>, %arg3: memref<1x128xf32, #tpu.memory_space<vmem>>, %arg4: memref<10000x128xf32, #tpu.memory_space<vmem>>, %arg5: memref<10000x1xf32, #tpu.memory_space<vmem>>, %arg6: memref<10000x1xf32, #tpu.memory_space<vmem>>, %arg7: memref<1x1xf32, #tpu.memory_space<vmem>>) attributes {dimension_semantics = [], scalar_prefetch = 0 : i64, scratch_operands = 0 : i64, tpu.core_type = #tpu.core_type<tc>} {
    %get3A = arith.constant 0 : index
    %get3A_0 = arith.constant 0 : index
    %get3A_1 = vector.load %arg0[%get3A, %get3A_0] : memref<10000x128xf32, #tpu.memory_space<vmem>>, vector<10000x128xf32>
    %get3A_2 = arith.constant 0 : index
    %get3A_3 = arith.constant 0 : index
    %get3A_4 = vector.load %arg1[%get3A_2, %get3A_3] : memref<128x128xf32, #tpu.memory_space<vmem>>, vector<128x128xf32>
    %dot_general3A = arith.constant dense<0.000000e+00> : vector<10000x128xf32>
    %dot_general3A_5 = tpu.matmul %get3A_1, %get3A_4, %dot_general3A {dimension_numbers = #tpu.dot_dimension_numbers<[1], [0], [0], [1], [0, 0, 1, 1], [], []>, transpose_lhs_hint = false} : vector<10000x128xf32>, vector<128x128xf32>, vector<10000x128xf32> -> vector<10000x128xf32>
    %swap3A = arith.constant 0 : index
    %swap3A_6 = arith.constant 0 : index
    %swap3A_7 = vector.load %arg4[%swap3A, %swap3A_6] : memref<10000x128xf32, #tpu.memory_space<vmem>>, vector<10000x128xf32>
    tpu.vector_store %arg4[%swap3A, %swap3A_6], %dot_general3A_5 {strides = array<i32>} : memref<10000x128xf32, #tpu.memory_space<vmem>>, vector<10000x128xf32>,
    %get3A_8 = arith.constant 0 : index
    %get3A_9 = arith.constant 0 : index
    %get3A_10 = vector.load %arg2[%get3A_8, %get3A_9] : memref<1x128xf32, #tpu.memory_space<vmem>>, vector<1x128xf32>
    %mul3A = vector.broadcast %get3A_10 : vector<1x128xf32> to vector<10000x128xf32>
    %mul3A_11 = arith.mulf %dot_general3A_5, %mul3A : vector<10000x128xf32>
    %reduce_sum3A = arith.constant dense<0.000000e+00> : vector<10000xf32>
    %reduce_sum3A_12 = vector.multi_reduction <add>, %mul3A_11, %reduce_sum3A [1] : vector<10000x128xf32> to vector<10000xf32>
    %broadcast_in_dim3A = vector.shape_cast %reduce_sum3A_12 : vector<10000xf32> to vector<10000x1xf32>
    %get3A_13 = arith.constant 0 : index
    %get3A_14 = arith.constant 0 : index
    %get3A_15 = vector.load %arg3[%get3A_13, %get3A_14] : memref<1x128xf32, #tpu.memory_space<vmem>>, vector<1x128xf32>
    %mul3A_16 = vector.broadcast %get3A_15 : vector<1x128xf32> to vector<10000x128xf32>
    %mul3A_17 = arith.mulf %dot_general3A_5, %mul3A_16 : vector<10000x128xf32>
    %reduce_sum3A_18 = arith.constant dense<0.000000e+00> : vector<10000xf32>
    %reduce_sum3A_19 = vector.multi_reduction <add>, %mul3A_17, %reduce_sum3A_18 [1] : vector<10000x128xf32> to vector<10000xf32>
    %broadcast_in_dim3A_20 = vector.shape_cast %reduce_sum3A_19 : vector<10000xf32> to vector<10000x1xf32>
    %swap3A_21 = arith.constant 0 : index
    %swap3A_22 = arith.constant 0 : index
    %swap3A_23 = vector.load %arg5[%swap3A_21, %swap3A_22] : memref<10000x1xf32, #tpu.memory_space<vmem>>, vector<10000x1xf32>
    tpu.vector_store %arg5[%swap3A_21, %swap3A_22], %broadcast_in_dim3A {strides = array<i32>} : memref<10000x1xf32, #tpu.memory_space<vmem>>, vector<10000x1xf32>,
    %swap3A_24 = arith.constant 0 : index
    %swap3A_25 = arith.constant 0 : index
    %swap3A_26 = vector.load %arg6[%swap3A_24, %swap3A_25] : memref<10000x1xf32, #tpu.memory_space<vmem>>, vector<10000x1xf32>
    tpu.vector_store %arg6[%swap3A_24, %swap3A_25], %broadcast_in_dim3A_20 {strides = array<i32>} : memref<10000x1xf32, #tpu.memory_space<vmem>>, vector<10000x1xf32>,
    %reduce_max3A = vector.shape_cast %broadcast_in_dim3A : vector<10000x1xf32> to vector<1x10000x1xf32>
    %reduce_max3A_27 = arith.constant dense<0xFF800000> : vector<1xf32>
    %reduce_max3A_28 = vector.multi_reduction <maximumf>, %reduce_max3A, %reduce_max3A_27 [1, 2] : vector<1x10000x1xf32> to vector<1xf32>
    %reduce_max3A_29 = vector.shape_cast %reduce_max3A_28 : vector<1xf32> to vector<1x1x1xf32>
    %reduce_max3A_30 = vector.extract %reduce_max3A_29[0, 0, 0] : f32 from vector<1x1x1xf32>
    %reduce_max3A_31 = vector.shape_cast %broadcast_in_dim3A_20 : vector<10000x1xf32> to vector<1x10000x1xf32>
    %reduce_max3A_32 = arith.constant dense<0xFF800000> : vector<1xf32>
    %reduce_max3A_33 = vector.multi_reduction <maximumf>, %reduce_max3A_31, %reduce_max3A_32 [1, 2] : vector<1x10000x1xf32> to vector<1xf32>
    %reduce_max3A_34 = vector.shape_cast %reduce_max3A_33 : vector<1xf32> to vector<1x1x1xf32>
    %reduce_max3A_35 = vector.extract %reduce_max3A_34[0, 0, 0] : f32 from vector<1x1x1xf32>
    %add3A = arith.addf %reduce_max3A_30, %reduce_max3A_35 : f32
    %broadcast_in_dim3A_36 = vector.broadcast %add3A : f32 to vector<1x1xf32>
    %swap3A_37 = arith.constant 0 : index
    %swap3A_38 = arith.constant 0 : index
    %swap3A_39 = vector.load %arg7[%swap3A_37, %swap3A_38] : memref<1x1xf32, #tpu.memory_space<vmem>>, vector<1x1xf32>
    tpu.vector_store %arg7[%swap3A_37, %swap3A_38], %broadcast_in_dim3A_36 {strides = array<i32>} : memref<1x1xf32, #tpu.memory_space<vmem>>, vector<1x1xf32>,
    return
  }
}

module attributes {stable_mosaic.version = 14 : i64} {
  func.func @_final_body(%arg0: memref<2x10240x128xf32, #tpu.memory_space<vmem>>, %arg1: memref<2x10240x16xf32, #tpu.memory_space<vmem>>, %arg2: memref<128xf32, #tpu.memory_space<vmem>>, %arg3: memref<10000x128xf32, #tpu.memory_space<vmem>>) attributes {dimension_semantics = [], scalar_prefetch = 0 : i64, scratch_operands = 0 : i64, tpu.core_type = #tpu.core_type<tc>} {
    %get3A = arith.constant 0 : index
    %get3A_0 = arith.constant 0 : index
    %get3A_1 = arith.constant 0 : index
    %get3A_2 = vector.load %arg0[%get3A, %get3A_0, %get3A_1] : memref<2x10240x128xf32, #tpu.memory_space<vmem>>, vector<1x10000x128xf32>
    %get3A_3 = vector.shape_cast %get3A_2 : vector<1x10000x128xf32> to vector<10000x128xf32>
    %get3A_4 = arith.constant 1 : index
    %get3A_5 = arith.constant 0 : index
    %get3A_6 = arith.constant 0 : index
    %get3A_7 = vector.load %arg0[%get3A_4, %get3A_5, %get3A_6] : memref<2x10240x128xf32, #tpu.memory_space<vmem>>, vector<1x10000x128xf32>
    %get3A_8 = vector.shape_cast %get3A_7 : vector<1x10000x128xf32> to vector<10000x128xf32>
    %add3A = arith.addf %get3A_3, %get3A_8 : vector<10000x128xf32>
    %get3A_9 = arith.constant 0 : index
    %get3A_10 = arith.constant 0 : index
    %get3A_11 = arith.constant 0 : index
    %get3A_12 = vector.load %arg1[%get3A_9, %get3A_10, %get3A_11] : memref<2x10240x16xf32, #tpu.memory_space<vmem>>, vector<1x10000x1xf32>
    %get3A_13 = vector.shape_cast %get3A_12 : vector<1x10000x1xf32> to vector<10000x1xf32>
    %get3A_14 = arith.constant 1 : index
    %get3A_15 = arith.constant 0 : index
    %get3A_16 = arith.constant 0 : index
    %get3A_17 = vector.load %arg1[%get3A_14, %get3A_15, %get3A_16] : memref<2x10240x16xf32, #tpu.memory_space<vmem>>, vector<1x10000x1xf32>
    %get3A_18 = vector.shape_cast %get3A_17 : vector<1x10000x1xf32> to vector<10000x1xf32>
    %add3A_19 = arith.addf %get3A_13, %get3A_18 : vector<10000x1xf32>
    %add3A_20 = arith.constant 1.000000e-16 : f32
    %add3A_21 = vector.broadcast %add3A_20 : f32 to vector<10000x1xf32>
    %add3A_22 = arith.addf %add3A_19, %add3A_21 : vector<10000x1xf32>
    %div3A = vector.broadcast %add3A_22 : vector<10000x1xf32> to vector<10000x128xf32>
    %div3A_23 = arith.divf %add3A, %div3A : vector<10000x128xf32>
    %get3A_24 = arith.constant 0 : index
    %get3A_25 = vector.load %arg2[%get3A_24] : memref<128xf32, #tpu.memory_space<vmem>>, vector<128xf32>
    %broadcast_in_dim3A = vector.shape_cast %get3A_25 : vector<128xf32> to vector<1x128xf32>
    %add3A_26 = vector.broadcast %broadcast_in_dim3A : vector<1x128xf32> to vector<10000x128xf32>
    %add3A_27 = arith.addf %div3A_23, %add3A_26 : vector<10000x128xf32>
    %max3A = arith.constant 0.000000e+00 : f32
    %max3A_28 = vector.broadcast %max3A : f32 to vector<10000x128xf32>
    %max3A_29 = arith.maximumf %add3A_27, %max3A_28 : vector<10000x128xf32>
    %swap3A = arith.constant 0 : index
    %swap3A_30 = arith.constant 0 : index
    %swap3A_31 = vector.load %arg3[%swap3A, %swap3A_30] : memref<10000x128xf32, #tpu.memory_space<vmem>>, vector<10000x128xf32>
    tpu.vector_store %arg3[%swap3A, %swap3A_30], %max3A_29 {strides = array<i32>} : memref<10000x128xf32, #tpu.memory_space<vmem>>, vector<10000x128xf32>,
    return
  }
}

</mosaic_0001>

<sc_bundles>
// kernel: kernel.5.cloned.1.call-start
scs
__scs_entry_jumppad:
0x0: {  	(pc) =	sbr.rel $0x88, $3  }
0x1: {  	(tag) =	ssettag $0x0;
	lr =	simm.s32 $0x1  }
0x2: {  	[smem:$0x3F9B] =	sst lr;
	_ =	strace $0xD0000000  }
0x3: {  	_ = 	snop  }
0x4: {  	_ = 	snop  }
0x5: {  	_ = 	snop  }
0x6: {  	_ = 	snop  }
0x7: {  	_ = 	snop  }
__scs_overlays_trampoline_lowered:
0x8: {  	[smem:$0x3FAA] =	sst s0  }
0x9: {  	[smem:$0x3FAB] =	sst s1  }
0xa: {  	[smem:$0x3FAC] =	sst s2  }
0xb: {  	[smem:$0x3FAD] =	sst s3  }
0xc: {  	[smem:$0x3FAE] =	sst s4  }
0xd: {  	[smem:$0x3FAF] =	sst s5  }
0xe: {  	[smem:$0x3FB0] =	sst s6  }
0xf: {  	[smem:$0x3FB1] =	sst s7  }
0x10: {  	[smem:$0x3FB2] =	sst s8  }
0x11: {  	[smem:$0x3FB3] =	sst s9;
	s0 =	simm.s32 @!p0 $0x0  }
0x12: {  	s1 =	sld [smem:$0x3F99];
	s0 =	simm.s32 @p0 $0x1  }
0x13: {  	[smem:$0x3FB4] =	sst s0;
	s0 =	simm.s32 @!p1 $0x0  }
0x14: {  	s2 =	sld [smem:$0x3F98];
	s0 =	simm.s32 @p1 $0x1  }
0x15: {  	[smem:$0x3FB5] =	sst s0;
	s0 =	simm.s32 @!p2 $0x0  }
0x16: {  	s3 =	sld [smem:$0x3FDB];
	s0 =	simm.s32 @p2 $0x1  }
0x17: {  	s4 =	simm.s32 $0x1BF5;
	[smem:$0x3FB7] =	sst s0  }
0x18: {  	s0 =	sld [smem:$0x3F9A];
	_ =	swait.ge [sflag:s4], $0x0  }
0x19: {  	s7 =	sld [smem:$0x3F9B]  }
0x1a: {  	s8 =	sadd.s32 $0xFFFFE003, lr  }
0x1b: {  	s9 =	sadd.s32 $0xFFFFFEF7, lr;
	s5 =	simm.s32 $0xFFFFFFFF;
	p2 =	slt.u32 s8, $0xFFFFF086  }
0x1c: {  	p1 =	slt.u32 s9, $0xF7A;
	s5 =	simm.s32 @!p2 $0x0  }
0x1d: {  	s5 =	simm.s32 @p1 $0x1;
	p0 =	seq.s32 s7, s2  }
0x1e: {  	s7 =	smul.u32 @!p0 $0xF7A, s2;
	p2 =	seq.s32 @!p0 s5, $0x0  }
0x1f: {  	s9 =	smul.u32 $0xF7A, s1;
	s8 =	simm.s32 @!p0 $0x1BF5;
	p2 =	por !p2, p0  }
0x20: {  	[sflag:s8] =	ssyncset.s32 @!p0 $0xFFFFF086;
	s6 =	sadd.s32 @!p0 s3, s7;
	s7 =	simm.s32 @!p0 $0x108  }
0x21: {  	s3 =	sadd.s32 s3, s9;
	s6 =	sadd.s32 @!p0 $0x88, s6;
	s7 =	simm.s32 @p2 $0x1082  }
0x22: {  	[simem:s7], [sflag:s8] =	dma.local @!p0 [hbm:s6], $0xF7A  }
0x23: {  	s9 =	sor.u32 $0xD0000000, s2;
	s6 =	simm.s32 $0x108;
	_ =	swait.ge @!p0 [sflag:s8], $0x0  }
0x24: {  	s3 =	sadd.s32 $0x88, s3;
	s6 =	simm.s32 @!p1 $0x1082;
	[sflag:s4] =	ssyncset.s32 $0xFFFFF086  }
0x25: {  	[simem:s6], [sflag:s4] =	dma.local [hbm:s3], $0xF7A  }
0x26: {  	[smem:$0x3F9B] =	sst s1;
	(tag) =	ssettag s2;
	_ =	strace s9  }
0x27: {  	s1 =	sld [smem:$0x3FAB]  }
0x28: {  	s2 =	sld [smem:$0x3FAC]  }
0x29: {  	s4 =	sld [smem:$0x3FAE]  }
0x2a: {  	p0 =	seq.s32 s5, $0x0;
	s5 =	sld [smem:$0x3FAF]  }
0x2b: {  	s6 =	sld [smem:$0x3FB0]  }
0x2c: {  	s7 =	sld [smem:$0x3FB1]  }
0x2d: {  	s3 =	simm.s32 $0x108;
	s8 =	sld [smem:$0x3FB2]  }
0x2e: {  	s3 =	simm.s32 @!p0 $0x1082;
	s9 =	sld [smem:$0x3FB3]  }
0x2f: {  	lr =	sadd.s32 s0, s3;
	s0 =	sld [smem:$0x3FAA]  }
0x30: {  	s3 =	sld [smem:$0x3FAD]  }
0x31: {  	[smem:$0x3FB6] =	sst s10  }
0x32: {  	s10 =	sld [smem:$0x3FB4];
	_ =	sdelay $0x3  }
0x33: {  	p0 =	seq.s32 s10, $0x1;
	s10 =	sld [smem:$0x3FB6];
	_ =	sdelay $0x3  }
0x34: {  	[smem:$0x3FB6] =	sst s10  }
0x35: {  	s10 =	sld [smem:$0x3FB5];
	_ =	sdelay $0x3  }
0x36: {  	p1 =	seq.s32 s10, $0x1;
	s10 =	sld [smem:$0x3FB6];
	_ =	sdelay $0x3  }
0x37: {  	[smem:$0x3FB6] =	sst s10  }
0x38: {  	s10 =	sld [smem:$0x3FB7]  }
0x39: {  	_ = 	snop;
	(pc) =	sbr.ind lr, $3  }
0x3a: {  	_ = 	snop  }
0x3b: {  	_ = 	snop  }
0x3c: {  	p2 =	seq.s32 s10, $0x1;
	s10 =	sld [smem:$0x3FB6]  }
0x3d: {  	_ =	shalt  }
0x3e: {  	_ =	shalt  }
0x3f: {  	_ =	shalt  }
0x40: {  	_ =	shalt  }
0x41: {  	_ =	shalt  }
0x42: {  	_ =	shalt  }
0x43: {  	_ =	shalt  }
0x44: {  	_ =	shalt  }
0x45: {  	_ =	shalt  }
0x46: {  	_ =	shalt  }
0x47: {  	_ =	shalt  }
0x48: {  	_ =	shalt  }
0x49: {  	_ =	shalt  }
0x4a: {  	_ =	shalt  }
0x4b: {  	_ =	shalt  }
0x4c: {  	_ =	shalt  }
0x4d: {  	_ =	shalt  }
0x4e: {  	_ =	shalt  }
0x4f: {  	_ =	shalt  }
0x50: {  	_ =	shalt  }
0x51: {  	_ =	shalt  }
0x52: {  	_ =	shalt  }
0x53: {  	_ =	shalt  }
0x54: {  	_ =	shalt  }
0x55: {  	_ =	shalt  }
0x56: {  	_ =	shalt  }
0x57: {  	_ =	shalt  }
0x58: {  	_ =	shalt  }
0x59: {  	_ =	shalt  }
0x5a: {  	_ =	shalt  }
0x5b: {  	_ =	shalt  }
0x5c: {  	_ =	shalt  }
0x5d: {  	_ =	shalt  }
0x5e: {  	_ =	shalt  }
0x5f: {  	_ =	shalt  }
0x60: {  	_ =	shalt  }
0x61: {  	_ =	shalt  }
0x62: {  	_ =	shalt  }
0x63: {  	_ =	shalt  }
0x64: {  	_ =	shalt  }
0x65: {  	_ =	shalt  }
0x66: {  	_ =	shalt  }
0x67: {  	_ =	shalt  }
0x68: {  	_ =	shalt  }
0x69: {  	_ =	shalt  }
0x6a: {  	_ =	shalt  }
0x6b: {  	_ =	shalt  }
0x6c: {  	_ =	shalt  }
0x6d: {  	_ =	shalt  }
0x6e: {  	_ =	shalt  }
0x6f: {  	_ =	shalt  }
0x70: {  	_ =	shalt  }
0x71: {  	_ =	shalt  }
0x72: {  	_ =	shalt  }
0x73: {  	_ =	shalt  }
0x74: {  	_ =	shalt  }
0x75: {  	_ =	shalt  }
0x76: {  	_ =	shalt  }
0x77: {  	_ =	shalt  }
0x78: {  	_ =	shalt  }
0x79: {  	_ =	shalt  }
0x7a: {  	_ =	shalt  }
0x7b: {  	_ =	shalt  }
0x7c: {  	_ =	shalt  }
0x7d: {  	_ =	shalt  }
0x7e: {  	_ =	shalt  }
0x7f: {  	_ =	shalt  }
0x80: {  	_ =	shalt  }
0x81: {  	_ =	shalt  }
0x82: {  	_ =	shalt  }
0x83: {  	_ =	shalt  }
0x84: {  	_ =	shalt  }
0x85: {  	_ =	shalt  }
0x86: {  	_ =	shalt  }
0x87: {  	_ =	shalt  }
.Lfunc_end0:
.L_simem_size_0:
called_computation_lowered:
.L_overlay_start_0:
0x88: {  	s2 =	sld [smem:$0x3FD9]  }
0x89: {  	s3 =	sld [smem:$0x3FFE];
	_ =	sdelay $0x1  }
0x8a: {  	s1 =	srdreg.scid  }
0x8b: {  	s0 =	sand.u32 $0x1, s1  }
0x8c: {  	s17 =	sshll.u32 s0, $0xA;
	s2 =	sadd.s32 s3, s2  }
0x8d: {  	s2 =	sadd.s32 s2, s17  }
0x8e: {  	[smem:$0x3FC2] =	sst s2  }
0x8f: {  	_ = 	snop  }
0x90: {  	s2 =	sld [smem:$0x3FD0];
	(tm) =	ssettm $0x1  }
0x91: {  	s18 =	sld [smem:$0x3FFB];
	_ =	sdelay $0x3  }
0x92: {  	_ =	strace s18  }
0x93: {  	s3 =	sld [smem:$0x3FFC];
	_ =	sdelay $0x3  }
0x94: {  	_ =	strace s3  }
0x95: {  	s3 =	sld [smem:$0x3FFD];
	_ =	sdelay $0x3  }
0x96: {  	_ =	strace s3  }
0x97: {  	_ =	strace $0x8FFFFFFF  }
0x98: {  	s19 =	sld [smem:$0x3FDB];
	_ =	sdelay $0x1  }
0x99: {  	s4 =	simm.s32 $_scs_section_size  }
0x9a: {  	s5 =	simm.s32 $_size__tile_overlayer_lowered;
	s6 =	simm.s32 $_tile_overlayer_lowered  }
0x9b: {  	s22 =	simm.s32 $0x1BFF;
	s21 =	sshll.u32 s6, $0x1;
	s3 =	sadd.s32 s4, s19  }
0x9c: {  	s7 =	simm.s32 $0x0;
	s20 =	sshll.u32 s5, $0x1;
	s5 =	sadd.s32 s21, s3  }
0x9d: {  	[timem:s7], [sflag:s22] =	dma.local [hbm:s5], s20  }
0x9e: {  	_ =	swait.ge [sflag:s22], s20  }
0x9f: {  	s4 =	ssub.s32 $0x0, s20;
	[sflag:s22] =	ssyncset.done $0x0  }
0xa0: {  	[sflag:s22] =	ssyncadd.s32 s4;
	_ =	sdelay $0x1  }
0xa1: {  	s23 =	simm.s32 $0x1B8B  }
0xa2: {  	_ =	swait.ge [sflag:s23], $0x1  }
0xa3: {  	[sflag:s23] =	ssyncset.done $0x0  }
0xa4: {  	s25 =	simm.s32 $0x1B8E;
	s24 =	sld [smem:$0x3FFE];
	[sflag:s23] =	ssyncadd.s32 $0xFFFFFFFF  }
0xa5: {  	s26 =	simm.s32 $execute0_lowered;
	[smem:$0x3FD2] =	sst s25  }
0xa6: {  	s5 =	sshll.u32 s26, $0x1;
	_ =	strace $0x80000046;
	[dreg:$0x1] =	wrdreg $0xFFFFFFFF  }
0xa7: {  	s28 =	simm.s32 $_size_execute0_lowered;
	s3 =	sadd.s32 s3, s5;
	[dreg:$0x0] =	wrdreg $0x0  }
0xa8: {  	s5 =	sshll.u32 s28, $0x1;
	[dreg:$0x2] =	wrdreg s3  }
0xa9: {  	[dreg:$0x3] =	wrdreg s5  }
0xaa: {  	[dreg:$0x4] =	wrdreg $0xC0  }
0xab: {  	_ =	task [dreg:s7], $0x5FFFF  }
0xac: {  	[dreg:$0x1] =	wrdreg $0xFFFFFFFF  }
0xad: {  	[dreg:$0x0] =	wrdreg $0x60  }
0xae: {  	[dreg:$0x2] =	wrdreg s24  }
0xaf: {  	[dreg:$0x3] =	wrdreg s2  }
0xb0: {  	[dreg:$0x4] =	wrdreg $0x8C600  }
0xb1: {  	[dreg:$0x5] =	wrdreg $0x1CC600  }
0xb2: {  	[dreg:$0x6] =	wrdreg $0x9  }
0xb3: {  	_ =	task.clear_ibuf [dreg:s7], $0x7FFFF;
	_ =	strace $0x90000046  }
0xb4: {  	s29 =	simm.s32 $0x9;
	_ =	strace $0x80000048  }
0xb5: {  	_ =	swait.ge [sflag:s29], $0x1  }
0xb6: {  	[sflag:s29] =	ssyncadd.s32 $0xFFFFFFFF  }
0xb7: {  	_ =	strace $0x90000048  }
0xb8: {  	_ =	sfence  }
0xb9: {  	s30 =	sld [smem:$0x0];
	_ =	sdelay $0x2  }
0xba: {  	s31 =	sshll.u32 s1, $0xD;
	s1 =	sshrl.u32 s1, $0x2  }
0xbb: {  	s3 =	sand.u32 $0x4000, s31;
	s1 =	sadd.s32 s1, s30  }
0xbc: {  	s0 =	sor.u32 s3, s0;
	s1 =	sshll.u32 s1, $0x11  }
0xbd: {  	s0 =	sor.u32 s1, s0  }
0xbe: {  	s0 =	sadd.s32 $0x8F2B, s0  }
0xbf: {  	[sflag:s0] =	ssyncadd.remote.s32 $0x1  }
0xc0: {  	_ =	sfence.sel $0xFFFF  }
0xc1: {  	[dreg:$0x0] =	wrdreg $0xFFFFFFFF;
	(pc) =	sbr.abs _section_cstart, $3  }
0xc2: {  	[dreg:$0x1] =	wrdreg $0xFFFFFFFF  }
0xc3: {  	_ =	task.clear_ibuf [dreg:s7], $0x2FFFF;
	_ =	strace $0x9FFFFFFF  }
0xc4: {  	(tm) =	ssettm $0x7FFFFFFF  }
0xc5: {  	_ =	shalt  }
tec
execute0_lowered:
.L_overlay_start_1:
0x0: {  	(tag) =	ssettag $0x1  }
0x1: {  	s0 =	rddreg [dreg:$0x0]  }
0x2: {  	s1 =	rddreg [dreg:$0x1]  }
0x3: {  	s2 =	rddreg [dreg:$0x2];
	s16 =	stileid.u32  }
0x4: {  	s3 =	rddreg [dreg:$0x3];
	s20 =	smul.u32 $0x14000, s16  }
0x5: {  	s4 =	simm.s32 $0x0;
	s5 =	srdreg.scid;
	s12 =	smul.u32 $0x280, s16  }
0x6: {  	[smem:$0x7FF] =	sst s4;
	s22 =	smul.u32 $0x2800, s16  }
0x7: {  	s6 =	sadd.s32 $0xA800, s0;
	s5 =	sand.u32 $0x1, s5;
	s14 =	smul.u32 $0x50000, s16  }
0x8: {  	s7 =	sadd.s32 $0xA00, s0;
	s9 =	sshll.u32 s16, $0x1;
	s16 =	smul.u32 $0xA000, s16  }
0x9: {  	s10 =	sadd.s32 $0x14800, s0;
	s17 =	sadd.s32 $0x14E00, s0;
	s8 =	smul.u32 $0x28000, s5  }
0xa: {  	_ =	strace $0x80000047;
	[dreg:$0x5] =	wrdreg s10;
	s11 =	smul.u32 $0x5000, s5  }
0xb: {  	s9 =	sor.u32 s5, s9;
	[dreg:$0x6] =	wrdreg s17;
	s5 =	ssub.s32 $0x2, s5  }
0xc: {  	s10 =	smul.u32 $0x2710, s9;
	s18 =	sshrl.u32 s5, $0x1;
	s21 =	sshrl.u32 s20, $0x3  }
0xd: {  	s15 =	sshrl.u32 s22, $0x3;
	s23 =	sshrl.u32 s14, $0x2;
	s24 =	sor.u32 $0x50, s12  }
0xe: {  	s25 =	sshrl.u32 s16, $0x2;
	s29 =	sadd.s32 $0xA0, s12;
	s16 =	sadd.s32 $0xF0, s12  }
0xf: {  	s8 =	sadd.s32 s8, s0;
	s0 =	sadd.s32 s11, s0;
	s5 =	ssub.s32 s5, s18  }
0x10: {  	s11 =	sadd.s32 s20, s2;
	s26 =	sshll.u32 s24, $0x7;
	s14 =	sshll.u32 s24, $0x4  }
0x11: {  	s30 =	sshll.u32 s29, $0x7;
	s17 =	sshll.u32 s16, $0x7;
	s18 =	sadd.s32 $0x140, s12  }
0x12: {  	s19 =	sshrl.u32 s10, $0x3;
	s8 =	sadd.s32 $0x1F000, s8;
	s0 =	sadd.s32 $0x15000, s0  }
0x13: {  	s5 =	smax.u32 s5, $0x1;
	s28 =	sadd.s32 s26, s2;
	s14 =	sadd.s32 s14, s3  }
0x14: {  	s20 =	sshll.u32 s18, $0x4;
	s13 =	sadd.s32 s6, s19;
	[dreg:$0x9] =	wrdreg s5  }
0x15: {  	s9 =	sadd.s32 s7, s19;
	s5 =	sadd.s32 s23, s2;
	[dreg:$0xc] =	wrdreg s28  }
0x16: {  	s8 =	sadd.s32 s21, s8;
	[dreg:$0xe] =	wrdreg s14;
	s0 =	sadd.s32 s15, s0  }
0x17: {  	s19 =	sshll.u32 s18, $0x7;
	s21 =	sadd.s32 $0x190, s12;
	s23 =	sadd.s32 $0x1E0, s12  }
0x18: {  	s28 =	sadd.s32 $0x230, s12;
	s12 =	simm.s32 $0x86C0;
	[dreg:$0x7] =	wrdreg s13  }
0x19: {  	s14 =	simm.s32 $0x50;
	s15 =	simm.s32 $0x5EC0;
	[dreg:$0x8] =	wrdreg s9  }
0x1a: {  	s18 =	simm.s32 $0x8C10;
	s13 =	sadd.s32 s22, s3;
	[dreg:$0xa] =	wrdreg s5  }
0x1b: {  	s5 =	sadd.s32 s25, s3;
	[dreg:$0xd] =	wrdreg s8;
	s8 =	sadd.s32 s30, s2  }
0x1c: {  	[dreg:$0x11] =	wrdreg s0;
	s0 =	sshll.u32 s16, $0x4;
	s22 =	sshll.u32 s21, $0x7  }
0x1d: {  	s24 =	sshll.u32 s21, $0x4;
	s25 =	sshll.u32 s23, $0x7;
	[dreg:$0xb] =	wrdreg s5  }
0x1e: {  	s30 =	sshll.u32 s28, $0x7;
	[dreg:$0xf] =	wrdreg s8;
	s0 =	sadd.s32 s0, s3  }
0x1f: {  	s5 =	sshll.u32 s29, $0x4;
	s26 =	sadd.s32 s25, s2;
	[dreg:$0x13] =	wrdreg s0  }
0x20: {  	s9 =	simm.s32 $0x3;
	s5 =	sadd.s32 s5, s3;
	[dreg:$0x18] =	wrdreg s26  }
0x21: {  	s16 =	simm.s32 $0x1;
	s0 =	sadd.s32 s19, s2;
	[dreg:$0x10] =	wrdreg s5  }
0x22: {  	s29 =	sshll.u32 s23, $0x4;
	s5 =	sadd.s32 s17, s2;
	[dreg:$0x14] =	wrdreg s0  }
0x23: {  	s31 =	sadd.s32 s30, s2;
	s0 =	sadd.s32 s20, s3;
	[dreg:$0x12] =	wrdreg s5  }
0x24: {  	s8 =	sshrl.u32 s13, $0x3;
	[dreg:$0x15] =	wrdreg s0;
	s0 =	sadd.s32 s22, s2  }
0x25: {  	s19 =	simm.s32 $0x2;
	s5 =	sadd.s32 s29, s3;
	[dreg:$0x16] =	wrdreg s0  }
0x26: {  	s17 =	simm.s32 $0x8BC0;
	s0 =	sadd.s32 s24, s3;
	[dreg:$0x19] =	wrdreg s5  }
0x27: {  	v0 =	vimm.f32 $0.0e+00;
	vm0 =	vcmask $0x300;
	s20 =	simm.s32 $0x0;
	[dreg:$0x17] =	wrdreg s0;
	s0 =	sshll.u32 s28, $0x4  }
0x28: {  	v1 =	vsel vm0, $0x3F800000, v0;
	s5 =	sshrl.u32 s11, $0x3;
	s11 =	simm.s32 $0x36C0;
	s0 =	sadd.s32 s0, s3  }
.LBB2_1:
0x29: {  	s13 =	rddreg [dreg:$0x5]  }
0x2a: {  	[tilespmem:s4], [sflag:$0x3] =	stream.linear.gather [hbm4b:s13+s4], $0x2710, $0x38;
	[tilespmem:$0x1F460] =	vst v63  }
0x2b: {  	_ =	swait.ge [sflag:s9], $0x2710  }
0x2c: {  	[sflag:s9] =	ssyncset.done $0x0  }
0x2d: {  	s21 =	simm.s32 $0x2710;
	s30 =	rddreg [dreg:$0x6];
	[sflag:s9] =	ssyncadd.s32 $0xFFFFD8F0  }
0x2e: {  	[tilespmem:s21], [sflag:$0x3] =	stream.linear.gather [hbm4b:s30+s4], $0x10, $0x38;
	[tilespmem:$0x1F460] =	vst v63  }
0x2f: {  	_ =	swait.ge [sflag:s9], $0x10  }
0x30: {  	[sflag:s9] =	ssyncset.done $0x0  }
0x31: {  	s13 =	simm.s32 $0x3700;
	[sflag:s9] =	ssyncadd.s32 $0xFFFFFFF0  }
0x32: {  	[tilespmem:s13+$0xFFFFFFD0] =	vst v0  }
0x33: {  	[tilespmem:s13+$0xFFFFFFE0] =	vst v0  }
0x34: {  	[tilespmem:s13+$0xFFFFFFF0] =	vst v0  }
0x35: {  	[tilespmem:s13+$0x0] =	vst v0  }
0x36: {  	[tilespmem:s13+$0x10] =	vst v0  }
0x37: {  	[tilespmem:s13+$0x20] =	vst v0  }
0x38: {  	[tilespmem:s13+$0x30] =	vst v0  }
0x39: {  	s22 =	simm.s32 $0x0;
	s21 =	simm.s32 $0x40;
	[tilespmem:s13+$0xFFFFFFC0] =	vst v0  }
.LBB2_2:
0x3a: {  	p0 =	sne.s32 s21, $0x13C0;
	[tilespmem:s22+$0x86C0] =	vst v0;
	s13 =	sadd.s32 $0x80, s13  }
0x3b: {  	[tilespmem:s13+$0xFFFFFFD0] =	vst v0  }
0x3c: {  	[tilespmem:s13+$0xFFFFFFE0] =	vst v0  }
0x3d: {  	[tilespmem:s13+$0xFFFFFFF0] =	vst v0  }
.Ltmp0:
0x3e: {  	[tilespmem:s13+$0x0] =	vst v0;
	(pc) =	sbr.rel @p0 .LBB2_2-.Ltmp0, $4  }
0x3f: {  	[tilespmem:s13+$0x10] =	vst v0  }
0x40: {  	[tilespmem:s13+$0x20] =	vst v0  }
0x41: {  	[tilespmem:s13+$0x30] =	vst v0  }
0x42: {  	s22 =	sshra.s32 s21, $0x2;
	s21 =	sadd.s32 $0x40, s21;
	[tilespmem:s13+$0xFFFFFFC0] =	vst v0  }
0x43: {  	[tilespmem:s22+$0x86C0] =	vst v0;
	s13 =	rddreg [dreg:$0xa]  }
0x44: {  	[spmem:s13] =	stream.linear.scatter [tilespmem:s11], [sflag:$0x3], $0x2800, $0x38;
	[tilespmem:$0x1F460] =	vst v63  }
0x45: {  	_ =	swait.ge [sflag:s9], $0x2800  }
0x46: {  	[sflag:s9] =	ssyncset.done $0x0  }
0x47: {  	s23 =	rddreg [dreg:$0xb];
	[sflag:s9] =	ssyncadd.s32 $0xFFFFD800  }
0x48: {  	[spmem:s23] =	stream.linear.scatter [tilespmem:s12], [sflag:$0x3], $0x500, $0x38;
	[tilespmem:$0x1F460] =	vst v63  }
0x49: {  	_ =	swait.ge [sflag:s9], $0x500  }
0x4a: {  	[sflag:s9] =	ssyncset.done $0x0  }
0x4b: {  	s24 =	rddreg [dreg:$0xc];
	[sflag:s9] =	ssyncadd.s32 $0xFFFFFB00  }
0x4c: {  	[spmem:s24] =	stream.linear.scatter [tilespmem:s11], [sflag:$0x3], $0x2800, $0x38;
	[tilespmem:$0x1F460] =	vst v63  }
0x4d: {  	_ =	swait.ge [sflag:s9], $0x2800  }
0x4e: {  	[sflag:s9] =	ssyncset.done $0x0  }
0x4f: {  	s25 =	rddreg [dreg:$0xe];
	[sflag:s9] =	ssyncadd.s32 $0xFFFFD800  }
0x50: {  	[spmem:s25] =	stream.linear.scatter [tilespmem:s12], [sflag:$0x3], $0x500, $0x38;
	[tilespmem:$0x1F460] =	vst v63  }
0x51: {  	_ =	swait.ge [sflag:s9], $0x500  }
0x52: {  	[sflag:s9] =	ssyncset.done $0x0  }
0x53: {  	s26 =	rddreg [dreg:$0xf];
	[sflag:s9] =	ssyncadd.s32 $0xFFFFFB00  }
0x54: {  	[spmem:s26] =	stream.linear.scatter [tilespmem:s11], [sflag:$0x3], $0x2800, $0x38;
	[tilespmem:$0x1F460] =	vst v63  }
0x55: {  	_ =	swait.ge [sflag:s9], $0x2800  }
0x56: {  	[sflag:s9] =	ssyncset.done $0x0  }
0x57: {  	s28 =	rddreg [dreg:$0x10];
	[sflag:s9] =	ssyncadd.s32 $0xFFFFD800  }
0x58: {  	[spmem:s28] =	stream.linear.scatter [tilespmem:s12], [sflag:$0x3], $0x500, $0x38;
	[tilespmem:$0x1F460] =	vst v63  }
0x59: {  	_ =	swait.ge [sflag:s9], $0x500  }
0x5a: {  	[sflag:s9] =	ssyncset.done $0x0  }
0x5b: {  	s29 =	rddreg [dreg:$0x12];
	[sflag:s9] =	ssyncadd.s32 $0xFFFFFB00  }
0x5c: {  	[spmem:s29] =	stream.linear.scatter [tilespmem:s11], [sflag:$0x3], $0x2800, $0x38;
	[tilespmem:$0x1F460] =	vst v63  }
0x5d: {  	_ =	swait.ge [sflag:s9], $0x2800  }
0x5e: {  	[sflag:s9] =	ssyncset.done $0x0  }
0x5f: {  	s30 =	rddreg [dreg:$0x13];
	[sflag:s9] =	ssyncadd.s32 $0xFFFFD800  }
0x60: {  	[spmem:s30] =	stream.linear.scatter [tilespmem:s12], [sflag:$0x3], $0x500, $0x38;
	[tilespmem:$0x1F460] =	vst v63  }
0x61: {  	_ =	swait.ge [sflag:s9], $0x500  }
0x62: {  	[sflag:s9] =	ssyncset.done $0x0  }
0x63: {  	s21 =	rddreg [dreg:$0x14];
	[sflag:s9] =	ssyncadd.s32 $0xFFFFFB00  }
0x64: {  	[spmem:s21] =	stream.linear.scatter [tilespmem:s11], [sflag:$0x3], $0x2800, $0x38;
	[tilespmem:$0x1F460] =	vst v63  }
0x65: {  	_ =	swait.ge [sflag:s9], $0x2800  }
0x66: {  	[sflag:s9] =	ssyncset.done $0x0  }
0x67: {  	s22 =	rddreg [dreg:$0x15];
	[sflag:s9] =	ssyncadd.s32 $0xFFFFD800  }
0x68: {  	[spmem:s22] =	stream.linear.scatter [tilespmem:s12], [sflag:$0x3], $0x500, $0x38;
	[tilespmem:$0x1F460] =	vst v63  }
0x69: {  	_ =	swait.ge [sflag:s9], $0x500  }
0x6a: {  	[sflag:s9] =	ssyncset.done $0x0  }
0x6b: {  	s23 =	rddreg [dreg:$0x16];
	[sflag:s9] =	ssyncadd.s32 $0xFFFFFB00  }
0x6c: {  	[spmem:s23] =	stream.linear.scatter [tilespmem:s11], [sflag:$0x3], $0x2800, $0x38;
	[tilespmem:$0x1F460] =	vst v63  }
0x6d: {  	_ =	swait.ge [sflag:s9], $0x2800  }
0x6e: {  	[sflag:s9] =	ssyncset.done $0x0  }
0x6f: {  	s24 =	rddreg [dreg:$0x17];
	[sflag:s9] =	ssyncadd.s32 $0xFFFFD800  }
0x70: {  	[spmem:s24] =	stream.linear.scatter [tilespmem:s12], [sflag:$0x3], $0x500, $0x38;
	[tilespmem:$0x1F460] =	vst v63  }
0x71: {  	_ =	swait.ge [sflag:s9], $0x500  }
0x72: {  	[sflag:s9] =	ssyncset.done $0x0  }
0x73: {  	s25 =	rddreg [dreg:$0x18];
	[sflag:s9] =	ssyncadd.s32 $0xFFFFFB00  }
0x74: {  	[spmem:s25] =	stream.linear.scatter [tilespmem:s11], [sflag:$0x3], $0x2800, $0x38;
	[tilespmem:$0x1F460] =	vst v63  }
0x75: {  	_ =	swait.ge [sflag:s9], $0x2800  }
0x76: {  	[sflag:s9] =	ssyncset.done $0x0  }
0x77: {  	s26 =	rddreg [dreg:$0x19];
	[sflag:s9] =	ssyncadd.s32 $0xFFFFD800  }
0x78: {  	[spmem:s26] =	stream.linear.scatter [tilespmem:s12], [sflag:$0x3], $0x500, $0x38;
	[tilespmem:$0x1F460] =	vst v63  }
0x79: {  	_ =	swait.ge [sflag:s9], $0x500  }
0x7a: {  	[sflag:s9] =	ssyncset.done $0x0  }
0x7b: {  	[sflag:s9] =	ssyncadd.s32 $0xFFFFFB00  }
0x7c: {  	[spmem:s31] =	stream.linear.scatter [tilespmem:s11], [sflag:$0x3], $0x2800, $0x38;
	[tilespmem:$0x1F460] =	vst v63  }
0x7d: {  	_ =	swait.ge [sflag:s9], $0x2800  }
0x7e: {  	[sflag:s9] =	ssyncset.done $0x0  }
0x7f: {  	[sflag:s9] =	ssyncadd.s32 $0xFFFFD800  }
0x80: {  	[spmem:s0] =	stream.linear.scatter [tilespmem:s12], [sflag:$0x3], $0x500, $0x38;
	[tilespmem:$0x1F460] =	vst v63  }
0x81: {  	_ =	swait.ge [sflag:s9], $0x500  }
0x82: {  	[sflag:s9] =	ssyncset.done $0x0  }
0x83: {  	[sflag:s9] =	ssyncadd.s32 $0xFFFFFB00  }
0x84: {  	[bflag:$0x0] =	sbarrier.arrive $0xFFFF  }
0x85: {  	s29 =	simm.s32 $0x2720;
	s21 =	simm.s32 $0x0;
	s28 =	rddreg [dreg:$0x7]  }
0x86: {  	v2 =	vld [tilespmem:$0x2710];
	[tilespmem:s29], [sflag:$0x3] =	stream.linear.gather [hbm4b:s28+s21], $0x7D0, $0x38  }
0x87: {  	_ =	swait.ge [sflag:s9], $0x7D0  }
0x88: {  	[sflag:s9] =	ssyncset.done $0x0  }
0x89: {  	s23 =	simm.s32 $0x2EF0;
	s30 =	rddreg [dreg:$0x8];
	[sflag:s9] =	ssyncadd.s32 $0xFFFFF830  }
0x8a: {  	[tilespmem:s23], [sflag:$0x3] =	stream.linear.gather [hbm4b:s30+s21], $0x7D0, $0x38;
	[tilespmem:$0x1F460] =	vst v63  }
0x8b: {  	_ =	swait.ge [sflag:s9], $0x7D0  }
0x8c: {  	[sflag:s9] =	ssyncset.done $0x0  }
0x8d: {  	s13 =	simm.s32 $0x0;
	[sflag:s9] =	ssyncadd.s32 $0xFFFFF830  }
0x8e: {  	[tilespmem:s11], [sflag:$0x1] =	stream.indirect.gather [hbm4b:s1+s14], $0x80, s29, s14, $0xb8;
	[tilespmem:$0x1F460] =	vst v63  }
.LBB2_4:
0x8f: {  	s22 =	smul.u32 $0x52, s13;
	_ =	sdelay $0x1  }
0x90: {  	s22 =	sshrl.u32 s22, $0xA  }
0x91: {  	s22 =	sand.u32 $0x3F, s22  }
0x92: {  	s23 =	smul.u32 $0x19, s22  }
0x93: {  	s22 =	sshll.u32 s13, $0x1  }
0x94: {  	s23 =	ssub.s32 s22, s23  }
0x95: {  	s23 =	sand.u32 $0xFF, s23  }
0x96: {  	s23 =	smul.u32 $0x50, s23;
	_ =	sdelay $0x1  }
0x97: {  	v3 =	vld [tilespmem:s23+$0x2720]  }
0x98: {  	v4 =	vld [tilespmem:s23+$0x2EF0]  }
0x99: {  	v5 =	vld [tilespmem:s23+$0x2730]  }
0x9a: {  	v6 =	vld [tilespmem:s23+$0x2F00]  }
0x9b: {  	v9 =	vld [tilespmem:s23+$0x2740]  }
0x9c: {  	v10 =	vld [tilespmem:s23+$0x2F10]  }
0x9d: {  	v11 =	vld [tilespmem:s23+$0x2750]  }
0x9e: {  	v12 =	vld [tilespmem:s23+$0x2F20]  }
0x9f: {  	v13 =	vld [tilespmem:s23+$0x2760]  }
0xa0: {  	v3 =	vld.idx.msk [tilespmem:v3+s4+$0x0], $0xffff  }
0xa1: {  	v7 =	vld.idx.msk [tilespmem:v4+s4+$0x0], $0xffff  }
0xa2: {  	v5 =	vld.idx.msk [tilespmem:v5+s4+$0x0], $0xffff  }
0xa3: {  	v8 =	vld.idx.msk [tilespmem:v6+s4+$0x0], $0xffff  }
0xa4: {  	v14 =	vld [tilespmem:s23+$0x2F30];
	_ =	sdelay $0x1  }
0xa5: {  	v3 =	vshll.u32 v3, $0x10;
	v7 =	vand.u32 $0xFFFF0000, v7  }
0xa6: {  	v3 =	vadd.f32 v7, v3;
	v7 =	vld.idx.msk [tilespmem:v9+s4+$0x0], $0xffff  }
0xa7: {  	v5 =	vshll.u32 v5, $0x10;
	v8 =	vand.u32 $0xFFFF0000, v8;
	v9 =	vld.idx.msk [tilespmem:v10+s4+$0x0], $0xffff  }
0xa8: {  	v5 =	vadd.f32 v8, v5;
	v8 =	vld.idx.msk [tilespmem:v11+s4+$0x0], $0xffff  }
0xa9: {  	v11 =	vld.idx.msk [tilespmem:v12+s4+$0x0], $0xffff;
	v15 =	vmul.f32 $2.000000030e-01, v3  }
0xaa: {  	v13 =	vld.idx.msk [tilespmem:v13+s4+$0x0], $0xffff;
	vm0 =	vge.f32 v3, $0.0e+00  }
0xab: {  	v16 =	vld.idx.msk [tilespmem:v14+s4+$0x0], $0xffff;
	v3 =	vsel vm0, v3, v15  }
0xac: {  	vm12 =	vge.f32 v5, $0.0e+00;
	v15 =	vmul.f32 $2.000000030e-01, v5;
	v3 =	vsub.f32 v3, v2  }
0xad: {  	v7 =	vshll.u32 v7, $0x10;
	v9 =	vand.u32 $0xFFFF0000, v9;
	v8 =	vshll.u32 v8, $0x10  }
0xae: {  	v5 =	vsel vm12, v5, v15;
	v7 =	vadd.f32 v9, v7;
	v9 =	vand.u32 $0xFFFF0000, v11  }
0xaf: {  	v5 =	vsub.f32 v5, v2;
	v8 =	vadd.f32 v9, v8  }
0xb0: {  	v9 =	vshll.u32 v13, $0x10;
	v13 =	vand.u32 $0xFFFF0000, v16;
	v11 =	vmul.f32 $2.000000030e-01, v7  }
0xb1: {  	v3 =	vmul.f32 $1.442695020e+00, v3;
	vm13 =	vge.f32 v7, $0.0e+00;
	v9 =	vadd.f32 v13, v9  }
0xb2: {  	v5 =	vmul.f32 $1.442695020e+00, v5;
	v7 =	vsel vm13, v7, v11;
	v11 =	vmul.f32 $2.000000030e-01, v8  }
0xb3: {  	s23 =	sshllo.u32 s13, $0x1;
	(erf) = vpow2.f32 v3;
	vm14 =	vge.f32 v8, $0.0e+00;
	v3 =	vsub.f32 v7, v2  }
0xb4: {  	s24 =	sand.u32 $0xFF, s23;
	(erf) = vpow2.f32 v5;
	v7 =	vmul.f32 $2.000000030e-01, v9;
	v5 =	vsel vm14, v8, v11  }
0xb5: {  	s24 =	smul.u32 $0x29, s24;
	vm15 =	vge.f32 v9, $0.0e+00;
	v3 =	vmul.f32 $1.442695020e+00, v3;
	v5 =	vsub.f32 v5, v2  }
0xb6: {  	v7 =	vsel vm15, v9, v7  }
0xb7: {  	s24 =	sshrl.u32 s24, $0xA;
	(erf) = vpow2.f32 v3;
	v3 =	vmul.f32 $1.442695020e+00, v5;
	v5 =	vsub.f32 v7, v2  }
0xb8: {  	s24 =	smul.u32 $0x19, s24  }
0xb9: {  	(erf) = vpow2.f32 v3;
	v3 =	vmul.f32 $1.442695020e+00, v5  }
0xba: {  	s24 =	ssub.s32 s23, s24  }
0xbb: {  	s24 =	sand.u32 $0xFF, s24;
	(erf) = vpow2.f32 v3  }
0xbc: {  	[tilespmem:$0x8C10] =	vst v4;
	p0 =	sne.s32 s24, $0x0  }
0xbd: {  	[tilespmem:$0x8C20] =	vst v6;
	s23 =	sand.u32 @!p0 $0xFF, s23  }
0xbe: {  	[tilespmem:$0x8C50] =	vst v14;
	s23 =	smul.u32 @!p0 $0x29, s23  }
0xbf: {  	[tilespmem:$0x8C30] =	vst v10  }
0xc0: {  	s23 =	sshrl.u32 @!p0 s23, $0xA;
	[tilespmem:$0x8C40] =	vst v12;
	v3 =	vpop (erf)  }
0xc1: {  	s23 =	smul.u32 @!p0 $0x7D0, s23;
	[tilespmem:$0x8BC0] =	vst v3;
	v3 =	vpop (erf)  }
0xc2: {  	[tilespmem:$0x8BD0] =	vst v3;
	v3 =	vpop (erf)  }
0xc3: {  	s23 =	sadd.s32 @!p0 s10, s23;
	[tilespmem:$0x8BE0] =	vst v3;
	v3 =	vpop (erf)  }
0xc4: {  	s23 =	sshrl.u32 @!p0 s23, $0x3;
	[tilespmem:$0x8BF0] =	vst v3;
	v3 =	vpop (erf)  }
0xc5: {  	s26 =	simm.s32 @!p0 $0x0;
	s28 =	simm.s32 @!p0 $0x2720;
	s25 =	sadd.s32 @!p0 s6, s23;
	[tilespmem:$0x8C00] =	vst v3  }
0xc6: {  	[tilespmem:s28], [sflag:$0x3] =	stream.linear.gather @!p0 [hbm4b:s25+s26], $0x7D0, $0x38;
	[tilespmem:$0x1F460] =	vst v63  }
0xc7: {  	s25 =	simm.s32 @!p0 $0x3  }
0xc8: {  	_ =	swait.ge @!p0 [sflag:s25], $0x7D0  }
0xc9: {  	s30 =	simm.s32 $0x2;
	[sflag:s25] =	ssyncset.done @!p0 $0x0  }
0xca: {  	s23 =	sadd.s32 @!p0 s7, s23;
	s28 =	simm.s32 @!p0 $0x2EF0;
	[sflag:s25] =	ssyncadd.s32 @!p0 $0xFFFFF830  }
0xcb: {  	v3 =	vmov s21;
	[tilespmem:s28], [sflag:$0x3] =	stream.linear.gather @!p0 [hbm4b:s23+s26], $0x7D0, $0x38;
	[tilespmem:$0x1F460] =	vst v63  }
0xcc: {  	v4 =	vmov s30;
	v3 =	vand.u32 $0xFFFFFFFC, v3;
	s23 =	smul.u32 $0x50, s24;
	_ =	swait.ge @!p0 [sflag:s25], $0x7D0  }
0xcd: {  	v4 =	vand.u32 $0xFFFFFFFE, v4;
	v3 =	vbroadcast v3, $0x0;
	[sflag:s25] =	ssyncset.done @!p0 $0x0  }
0xce: {  	v4 =	vbroadcast v4, $0x0;
	s24 =	sadd.s32 $0x2720, s23;
	[sflag:s25] =	ssyncadd.s32 @!p0 $0xFFFFF830  }
0xcf: {  	[tilespmem:s15], [sflag:$0x2] =	stream.indirect.gather [hbm4b:s1+s14], $0x80, s24, s14, $0xb8;
	[tilespmem:$0x1F460] =	vst v63  }
0xd0: {  	_ =	swait.ge [sflag:s16], $0x2800  }
0xd1: {  	[sflag:s16] =	ssyncset.done $0x0  }
0xd2: {  	[sflag:s16] =	ssyncadd.s32 $0xFFFFD800  }
0xd3: {  	v3 =	vld.idx.msk [tilespmem:v3+s17+$0x0], $0xffff  }
0xd4: {  	s26 =	simm.s32 $0x1;
	s24 =	simm.s32 $0x37C0;
	v4 =	vld.idx.msk [tilespmem:v4+s17+$0x0], $0xffff  }
0xd5: {  	v5 =	vmov s26;
	v6 =	vld [tilespmem:s24+$0x0]  }
0xd6: {  	v5 =	vand.u32 $0xFFFFFFFD, v5;
	v7 =	vld [tilespmem:s24+$0x10]  }
0xd7: {  	v5 =	vbroadcast v5, $0x0;
	v8 =	vld [tilespmem:s24+$0x20]  }
0xd8: {  	v9 =	vld [tilespmem:s24+$0x30]  }
0xd9: {  	v13 =	vld [tilespmem:s24+$0xFFFFFF00]  }
0xda: {  	v10 =	vld [tilespmem:s24+$0x40]  }
0xdb: {  	v11 =	vld [tilespmem:s24+$0x50]  }
0xdc: {  	v12 =	vld [tilespmem:s24+$0x60];
	v6 =	vmul.f32 v6, v4  }
0xdd: {  	v5 =	vld.idx.msk [tilespmem:v5+s17+$0x0], $0xffff;
	v8 =	vmul.f32 v8, v4  }
0xde: {  	v13 =	vmul.f32 v13, v3;
	[tilespmem:s24+$0x0] =	vst v6;
	v6 =	vmul.f32 v7, v4;
	v7 =	vld [tilespmem:s24+$0x70]  }
0xdf: {  	[tilespmem:s24+$0x20] =	vst v8;
	v8 =	vmul.f32 v10, v4;
	v10 =	vld [tilespmem:s24+$0xFFFFFF20]  }
0xe0: {  	[tilespmem:s24+$0xFFFFFF00] =	vst v13;
	v13 =	vld [tilespmem:s24+$0xFFFFFF90]  }
0xe1: {  	[tilespmem:s24+$0x10] =	vst v6;
	v6 =	vmul.f32 v9, v4;
	v9 =	vld [tilespmem:s24+$0xFFFFFF10]  }
0xe2: {  	v15 =	vld [tilespmem:s24+$0xFFFFFFD0];
	[tilespmem:s24+$0x40] =	vst v8;
	v8 =	vmul.f32 v12, v4  }
0xe3: {  	v12 =	vld [tilespmem:s24+$0xFFFFFF40];
	[tilespmem:s24+$0x30] =	vst v6;
	v6 =	vmul.f32 v11, v4  }
0xe4: {  	v11 =	vld [tilespmem:s24+$0xFFFFFF30];
	[tilespmem:s24+$0x60] =	vst v8;
	v10 =	vmul.f32 v10, v3  }
0xe5: {  	v8 =	vld [tilespmem:s24+$0xFFFFFF60];
	v13 =	vmul.f32 v13, v5;
	[tilespmem:s24+$0x50] =	vst v6  }
0xe6: {  	v6 =	vmul.f32 v7, v4;
	v7 =	vld [tilespmem:s24+$0xFFFFFF50];
	v9 =	vmul.f32 v9, v3;
	[tilespmem:s24+$0xFFFFFF20] =	vst v10  }
0xe7: {  	v10 =	vld [tilespmem:s24+$0xFFFFFFB0];
	[tilespmem:s24+$0xFFFFFF90] =	vst v13  }
0xe8: {  	v4 =	vmul.f32 v1, v4;
	[tilespmem:s24+$0xFFFFFF10] =	vst v9;
	v9 =	vld [tilespmem:s24+$0xFFFFFFA0]  }
0xe9: {  	s25 =	simm.s32 $0x86E0;
	v17 =	vld [tilespmem:s24+$0xB0];
	[tilespmem:s24+$0x70] =	vst v6;
	v11 =	vmul.f32 v11, v3  }
0xea: {  	s29 =	simm.s32 $0x3;
	v12 =	vmul.f32 v12, v3;
	[tilespmem:s25+$0x0] =	vst v4;
	v4 =	vld [tilespmem:s24+$0xFFFFFF80]  }
0xeb: {  	v14 =	vmov s29;
	v8 =	vmul.f32 v8, v3;
	[tilespmem:s24+$0xFFFFFF30] =	vst v11;
	v11 =	vld [tilespmem:s24+$0xFFFFFFC0]  }
0xec: {  	v6 =	vld [tilespmem:s24+$0xFFFFFF70];
	[tilespmem:s24+$0xFFFFFF40] =	vst v12;
	v7 =	vmul.f32 v7, v3  }
0xed: {  	s30 =	simm.s32 $0x4;
	[tilespmem:s24+$0xFFFFFF60] =	vst v8;
	v10 =	vmul.f32 v10, v5;
	v8 =	vmul.f32 v9, v5;
	v9 =	vld [tilespmem:s24+$0xFFFFFFF0]  }
0xee: {  	v13 =	vmov s30;
	[tilespmem:s24+$0xFFFFFF50] =	vst v7;
	v7 =	vld [tilespmem:s24+$0xFFFFFFE0]  }
0xef: {  	s29 =	simm.s32 $0x5;
	v18 =	vld [tilespmem:s24+$0xC0];
	v13 =	vand.u32 $0xFFFFFFFC, v13;
	v12 =	vmul.f32 v4, v5;
	[tilespmem:s24+$0xFFFFFFB0] =	vst v10  }
0xf0: {  	v63 =	vmov s29;
	v13 =	vbroadcast v13, $0x0;
	v4 =	vld.idx.msk [tilespmem:v14+s17+$0x0], $0xffff;
	[tilespmem:s24+$0xFFFFFFA0] =	vst v8;
	v8 =	vmul.f32 v11, v5  }
0xf1: {  	v16 =	vand.u32 $0xFFFFFFFD, v63;
	s30 =	simm.s32 $0x6;
	v20 =	vmul.f32 v6, v3;
	v10 =	vmul.f32 v15, v5;
	v15 =	vld [tilespmem:s24+$0xA0];
	[tilespmem:s24+$0xFFFFFF80] =	vst v12  }
0xf2: {  	v16 =	vbroadcast v16, $0x0;
	s28 =	simm.s32 $0x7;
	v12 =	vld [tilespmem:s24+$0x80];
	[tilespmem:s24+$0xFFFFFFC0] =	vst v8;
	v8 =	vmul.f32 v9, v5;
	v9 =	vmov s30  }
0xf3: {  	v14 =	vmov s28;
	[tilespmem:s24+$0xFFFFFF70] =	vst v20;
	v11 =	vld [tilespmem:s24+$0x90];
	v7 =	vmul.f32 v7, v5;
	v6 =	vand.u32 $0xFFFFFFFE, v9  }
0xf4: {  	v19 =	vld [tilespmem:s24+$0xD0];
	[tilespmem:s24+$0xFFFFFFD0] =	vst v10;
	v9 =	vbroadcast v6, $0x0  }
0xf5: {  	v21 =	vmul.f32 v1, v3;
	[tilespmem:s24+$0xFFFFFFE0] =	vst v7;
	v7 =	vld [tilespmem:s24+$0xE0]  }
0xf6: {  	v5 =	vmul.f32 v1, v5;
	[tilespmem:s24+$0xFFFFFFF0] =	vst v8;
	v8 =	vld [tilespmem:s24+$0xF0]  }
0xf7: {  	v3 =	vld.idx.msk [tilespmem:v13+s17+$0x0], $0xffff;
	[tilespmem:s25+$0xFFFFFFE0] =	vst v21;
	v13 =	vmul.f32 v18, v4;
	v22 =	vmul.f32 v12, v4  }
0xf8: {  	v10 =	vmul.f32 v11, v4;
	v6 =	vld.idx.msk [tilespmem:v14+s17+$0x0], $0xffff;
	v11 =	vmul.f32 v15, v4;
	[tilespmem:s25+$0xFFFFFFF0] =	vst v5  }
0xf9: {  	s26 =	simm.s32 $0x37C0;
	s28 =	simm.s32 $0x8;
	v12 =	vmul.f32 v17, v4;
	v14 =	vmul.f32 v19, v4;
	v5 =	vld.idx.msk [tilespmem:v16+s17+$0x0], $0xffff;
	[tilespmem:s24+$0x80] =	vst v22  }
.LBB2_5:
0xfa: {  	p0 =	slt.u32 s28, $0x4C;
	v9 =	vld.idx.msk [tilespmem:v9+s17+$0x0], $0xffff;
	[tilespmem:s24+$0x90] =	vst v10;
	v7 =	vmul.f32 v7, v4;
	s26 =	sadd.s32 $0x200, s26  }
0xfb: {  	v10 =	vld [tilespmem:s26+$0x0];
	[tilespmem:s24+$0xA0] =	vst v11;
	v8 =	vmul.f32 v8, v4  }
0xfc: {  	v11 =	vld [tilespmem:s26+$0x10];
	[tilespmem:s24+$0xB0] =	vst v12  }
0xfd: {  	v12 =	vld [tilespmem:s26+$0x20];
	[tilespmem:s24+$0xC0] =	vst v13  }
0xfe: {  	v13 =	vld [tilespmem:s26+$0x30];
	[tilespmem:s24+$0xD0] =	vst v14  }
0xff: {  	v14 =	vld [tilespmem:s26+$0x40];
	[tilespmem:s24+$0xE0] =	vst v7;
	v7 =	vmul.f32 v1, v4;
	v4 =	vmov v6  }
0x100: {  	v6 =	vmul.f32 v10, v9;
	v10 =	vld [tilespmem:s26+$0x50];
	[tilespmem:s24+$0xF0] =	vst v8;
	s24 =	smov.u32 s26  }
0x101: {  	v8 =	vmul.f32 v11, v9;
	v11 =	vld [tilespmem:s26+$0x60];
	[tilespmem:s25+$0x10] =	vst v7  }
0x102: {  	[tilespmem:s26+$0x0] =	vst v6;
	v6 =	vmul.f32 v12, v9;
	v7 =	vld [tilespmem:s26+$0x70]  }
0x103: {  	v12 =	vld [tilespmem:s26+$0xFFFFFF00];
	[tilespmem:s26+$0x10] =	vst v8;
	v8 =	vmul.f32 v13, v9  }
0x104: {  	v13 =	vld [tilespmem:s26+$0xFFFFFF10];
	[tilespmem:s26+$0x20] =	vst v6;
	v6 =	vmul.f32 v14, v9  }
0x105: {  	v14 =	vld [tilespmem:s26+$0xFFFFFF20];
	[tilespmem:s26+$0x30] =	vst v8;
	v8 =	vmul.f32 v10, v9  }
0x106: {  	v10 =	vld [tilespmem:s26+$0xFFFFFF30];
	[tilespmem:s26+$0x40] =	vst v6;
	v6 =	vmul.f32 v11, v9  }
0x107: {  	v11 =	vld [tilespmem:s26+$0xFFFFFF40];
	[tilespmem:s26+$0x50] =	vst v8;
	v7 =	vmul.f32 v7, v9  }
0x108: {  	v8 =	vmul.f32 v12, v3;
	v12 =	vld [tilespmem:s26+$0xFFFFFF50];
	[tilespmem:s26+$0x60] =	vst v6;
	v6 =	vmul.f32 v1, v9  }
0x109: {  	s25 =	sadd.s32 $0x40, s25;
	v9 =	vmul.f32 v13, v3;
	v13 =	vld [tilespmem:s26+$0xFFFFFF60];
	[tilespmem:s26+$0x70] =	vst v7  }
0x10a: {  	v7 =	vmul.f32 v14, v3;
	v14 =	vld [tilespmem:s26+$0xFFFFFF70];
	[tilespmem:s25+$0x0] =	vst v6  }
0x10b: {  	[tilespmem:s26+$0xFFFFFF00] =	vst v8;
	v6 =	vmul.f32 v10, v3;
	v8 =	vld [tilespmem:s26+$0xFFFFFF80]  }
0x10c: {  	[tilespmem:s26+$0xFFFFFF10] =	vst v9;
	v9 =	vmul.f32 v11, v3;
	v10 =	vld [tilespmem:s26+$0xFFFFFF90]  }
0x10d: {  	[tilespmem:s26+$0xFFFFFF20] =	vst v7;
	v7 =	vmul.f32 v12, v3;
	v11 =	vld [tilespmem:s26+$0xFFFFFFA0]  }
0x10e: {  	[tilespmem:s26+$0xFFFFFF30] =	vst v6;
	v6 =	vmul.f32 v13, v3;
	v12 =	vld [tilespmem:s26+$0xFFFFFFB0]  }
0x10f: {  	[tilespmem:s26+$0xFFFFFF40] =	vst v9;
	v13 =	vmul.f32 v14, v3;
	v9 =	vld [tilespmem:s26+$0xFFFFFFC0]  }
0x110: {  	[tilespmem:s26+$0xFFFFFF50] =	vst v7;
	v7 =	vmul.f32 v8, v5;
	v8 =	vld [tilespmem:s26+$0xFFFFFFD0]  }
0x111: {  	[tilespmem:s26+$0xFFFFFF60] =	vst v6;
	v6 =	vmul.f32 v10, v5;
	v10 =	vld [tilespmem:s26+$0xFFFFFFE0]  }
0x112: {  	s29 =	sadd.s32 $0x3, s28;
	[tilespmem:s26+$0xFFFFFF80] =	vst v7;
	v7 =	vmul.f32 v11, v5;
	v11 =	vld [tilespmem:s26+$0xFFFFFFF0]  }
0x113: {  	s30 =	sadd.s32 $0x1, s28;
	v15 =	vmov s29;
	v14 =	vmov s28;
	[tilespmem:s26+$0xFFFFFF90] =	vst v6;
	v6 =	vmul.f32 v12, v5;
	v12 =	vld [tilespmem:s26+$0x80]  }
0x114: {  	v16 =	vmov s30;
	v14 =	vand.u32 $0xFFFFFFFC, v14;
	[tilespmem:s26+$0xFFFFFFA0] =	vst v7;
	v7 =	vmul.f32 v9, v5;
	v17 =	vld [tilespmem:s26+$0x90]  }
0x115: {  	s29 =	sadd.s32 $0x2, s28;
	v14 =	vbroadcast v14, $0x0;
	v9 =	vand.u32 $0xFFFFFFFD, v16;
	[tilespmem:s26+$0xFFFFFFB0] =	vst v6;
	v6 =	vmul.f32 v8, v5;
	v8 =	vld [tilespmem:s26+$0xA0]  }
0x116: {  	v16 =	vbroadcast v9, $0x0;
	v9 =	vmov s29;
	[tilespmem:s26+$0xFFFFFFC0] =	vst v7;
	v7 =	vmul.f32 v10, v5;
	v18 =	vld [tilespmem:s26+$0xB0]  }
0x117: {  	v9 =	vand.u32 $0xFFFFFFFE, v9;
	[tilespmem:s26+$0xFFFFFFD0] =	vst v6;
	v6 =	vmul.f32 v11, v5;
	v5 =	vmul.f32 v1, v5;
	v19 =	vld [tilespmem:s26+$0xC0]  }
0x118: {  	v9 =	vbroadcast v9, $0x0;
	[tilespmem:s26+$0xFFFFFFE0] =	vst v7;
	v20 =	vmul.f32 v12, v4;
	v21 =	vld [tilespmem:s26+$0xD0]  }
.Ltmp1:
0x119: {  	[tilespmem:s26+$0xFFFFFFF0] =	vst v6;
	v10 =	vmul.f32 v17, v4;
	v7 =	vld [tilespmem:s26+$0xE0];
	(pc) =	sbr.rel @p0 .LBB2_5-.Ltmp1, $4  }
0x11a: {  	v17 =	vmul.f32 v1, v3;
	[tilespmem:s25+$0xFFFFFFF0] =	vst v5;
	v11 =	vmul.f32 v8, v4;
	v8 =	vld [tilespmem:s26+$0xF0]  }
0x11b: {  	v6 =	vld.idx.msk [tilespmem:v15+s17+$0x0], $0xffff;
	[tilespmem:s26+$0xFFFFFF70] =	vst v13;
	v12 =	vmul.f32 v18, v4  }
0x11c: {  	v3 =	vld.idx.msk [tilespmem:v14+s17+$0x0], $0xffff;
	[tilespmem:s25+$0xFFFFFFE0] =	vst v17;
	v13 =	vmul.f32 v19, v4  }
0x11d: {  	s28 =	sadd.s32 $0x4, s28;
	v5 =	vld.idx.msk [tilespmem:v16+s17+$0x0], $0xffff;
	[tilespmem:s26+$0x80] =	vst v20;
	v14 =	vmul.f32 v21, v4  }
0x11e: {  	_ =	sdelay $0x3  }
0x11f: {  	v9 =	vld.idx.msk [tilespmem:v9+s17+$0x0], $0xffff;
	[tilespmem:s24+$0x90] =	vst v10;
	s26 =	sadd.s32 $0x200, s26  }
0x120: {  	[tilespmem:s24+$0xA0] =	vst v11;
	v10 =	vld [tilespmem:s26+$0x0]  }
0x121: {  	[tilespmem:s24+$0xB0] =	vst v12;
	v11 =	vld [tilespmem:s26+$0x10]  }
0x122: {  	v7 =	vmul.f32 v7, v4;
	[tilespmem:s24+$0xC0] =	vst v13;
	v12 =	vld [tilespmem:s26+$0x20]  }
0x123: {  	v8 =	vmul.f32 v8, v4;
	v13 =	vld [tilespmem:s26+$0x30];
	[tilespmem:s24+$0xD0] =	vst v14  }
0x124: {  	v14 =	vld [tilespmem:s26+$0x40];
	v4 =	vmul.f32 v1, v4;
	[tilespmem:s24+$0xE0] =	vst v7  }
0x125: {  	[tilespmem:s24+$0xF0] =	vst v8;
	v7 =	vmul.f32 v10, v9;
	v10 =	vld [tilespmem:s26+$0x50]  }
0x126: {  	[tilespmem:s25+$0x10] =	vst v4;
	v8 =	vmul.f32 v11, v9;
	v11 =	vld [tilespmem:s26+$0x60]  }
0x127: {  	v4 =	vmul.f32 v12, v9;
	[tilespmem:s26+$0x0] =	vst v7;
	v7 =	vld [tilespmem:s26+$0x70]  }
0x128: {  	v12 =	vld [tilespmem:s26+$0xFFFFFF00];
	[tilespmem:s26+$0x10] =	vst v8;
	v8 =	vmul.f32 v13, v9  }
0x129: {  	[tilespmem:s26+$0x20] =	vst v4;
	v4 =	vmul.f32 v14, v9  }
0x12a: {  	v13 =	vld [tilespmem:s26+$0xFFFFFF10];
	[tilespmem:s26+$0x30] =	vst v8;
	v8 =	vmul.f32 v10, v9  }
0x12b: {  	[tilespmem:s26+$0x40] =	vst v4;
	v10 =	vld [tilespmem:s26+$0xFFFFFF20];
	v4 =	vmul.f32 v11, v9  }
0x12c: {  	v11 =	vld [tilespmem:s26+$0xFFFFFF30];
	[tilespmem:s26+$0x50] =	vst v8;
	v7 =	vmul.f32 v7, v9  }
0x12d: {  	v8 =	vld [tilespmem:s26+$0xFFFFFF40];
	[tilespmem:s26+$0x60] =	vst v4;
	v4 =	vmul.f32 v1, v9;
	v9 =	vmul.f32 v12, v3  }
0x12e: {  	v12 =	vld [tilespmem:s26+$0xFFFFFF50];
	[tilespmem:s26+$0x70] =	vst v7  }
0x12f: {  	s25 =	sadd.s32 $0x40, s25;
	v7 =	vmul.f32 v13, v3;
	v13 =	vld [tilespmem:s26+$0xFFFFFF60];
	[tilespmem:s26+$0xFFFFFF00] =	vst v9  }
0x130: {  	v9 =	vld [tilespmem:s26+$0xFFFFFF80];
	[tilespmem:s25+$0x0] =	vst v4;
	v4 =	vmul.f32 v10, v3  }
0x131: {  	v10 =	vmul.f32 v11, v3;
	[tilespmem:s26+$0xFFFFFF10] =	vst v7;
	v7 =	vld [tilespmem:s26+$0xFFFFFF90]  }
0x132: {  	v8 =	vmul.f32 v8, v3;
	[tilespmem:s26+$0xFFFFFF20] =	vst v4;
	v4 =	vld [tilespmem:s26+$0xFFFFFFA0]  }
0x133: {  	v11 =	vmul.f32 v12, v3;
	[tilespmem:s26+$0xFFFFFF30] =	vst v10;
	v10 =	vld [tilespmem:s26+$0xFFFFFFB0]  }
0x134: {  	v12 =	vmul.f32 v13, v3;
	[tilespmem:s26+$0xFFFFFF40] =	vst v8;
	v8 =	vld [tilespmem:s26+$0xFFFFFFC0]  }
0x135: {  	[tilespmem:s26+$0xFFFFFF50] =	vst v11;
	v9 =	vmul.f32 v9, v5;
	v11 =	vld [tilespmem:s26+$0xFFFFFFD0]  }
0x136: {  	[tilespmem:s26+$0xFFFFFF60] =	vst v12;
	v7 =	vmul.f32 v7, v5;
	v12 =	vld [tilespmem:s26+$0xFFFFFFE0]  }
0x137: {  	[tilespmem:s26+$0xFFFFFF80] =	vst v9;
	v9 =	vld [tilespmem:s26+$0xFFFFFFF0];
	v4 =	vmul.f32 v4, v5  }
0x138: {  	[tilespmem:s26+$0xFFFFFF90] =	vst v7;
	v7 =	vmul.f32 v10, v5  }
0x139: {  	v10 =	vld [tilespmem:s26+$0xFFFFFF70];
	[tilespmem:s26+$0xFFFFFFA0] =	vst v4;
	v4 =	vmul.f32 v8, v5  }
0x13a: {  	[tilespmem:s26+$0xFFFFFFB0] =	vst v7;
	v7 =	vmul.f32 v11, v5  }
0x13b: {  	v8 =	vld [tilespmem:s26+$0x80];
	[tilespmem:s26+$0xFFFFFFC0] =	vst v4;
	v4 =	vmul.f32 v12, v5  }
0x13c: {  	v11 =	vld [tilespmem:s26+$0x90];
	[tilespmem:s26+$0xFFFFFFD0] =	vst v7;
	v7 =	vmul.f32 v9, v5  }
0x13d: {  	v9 =	vld [tilespmem:s26+$0xA0];
	v5 =	vmul.f32 v1, v5;
	[tilespmem:s26+$0xFFFFFFE0] =	vst v4  }
0x13e: {  	v4 =	vmul.f32 v10, v3;
	v10 =	vld [tilespmem:s26+$0xB0];
	[tilespmem:s26+$0xFFFFFFF0] =	vst v7  }
0x13f: {  	v3 =	vmul.f32 v1, v3;
	v7 =	vld [tilespmem:s26+$0xC0];
	[tilespmem:s25+$0xFFFFFFF0] =	vst v5  }
0x140: {  	v5 =	vmul.f32 v8, v6;
	v8 =	vld [tilespmem:s26+$0xD0];
	[tilespmem:s26+$0xFFFFFF70] =	vst v4  }
0x141: {  	v4 =	vmul.f32 v11, v6;
	v11 =	vld [tilespmem:s26+$0xE0];
	[tilespmem:s25+$0xFFFFFFE0] =	vst v3  }
0x142: {  	v3 =	vmul.f32 v9, v6;
	v9 =	vld [tilespmem:s26+$0xF0];
	[tilespmem:s26+$0x80] =	vst v5  }
0x143: {  	[tilespmem:s26+$0x90] =	vst v4;
	v5 =	vmul.f32 v10, v6  }
0x144: {  	v4 =	vmul.f32 v7, v6;
	[tilespmem:s26+$0xA0] =	vst v3  }
0x145: {  	v3 =	vmul.f32 v8, v6;
	[tilespmem:s26+$0xB0] =	vst v5  }
0x146: {  	v5 =	vmul.f32 v11, v6;
	[tilespmem:s26+$0xC0] =	vst v4  }
0x147: {  	v4 =	vmul.f32 v9, v6;
	[tilespmem:s26+$0xD0] =	vst v3  }
0x148: {  	[tilespmem:s26+$0xE0] =	vst v5;
	v3 =	vmul.f32 v1, v6  }
0x149: {  	[tilespmem:s26+$0xF0] =	vst v4  }
0x14a: {  	[tilespmem:s25+$0x10] =	vst v3  }
0x14b: {  	[spmem:s2] =	stream.indirect.scatter.add.f32 [tilespmem:s11], [sflag:$0x3], $0x80, s18, s14, $0xb8;
	[tilespmem:$0x1F460] =	vst v63  }
0x14c: {  	_ =	swait.ge [sflag:s9], $0x2800  }
0x14d: {  	[sflag:s9] =	ssyncset.done $0x0  }
0x14e: {  	[sflag:s9] =	ssyncadd.s32 $0xFFFFD800  }
0x14f: {  	[spmem:s3] =	stream.indirect.scatter.add.f32 [tilespmem:s12], [sflag:$0x3], $0x10, s18, s14, $0xb8;
	[tilespmem:$0x1F460] =	vst v63  }
0x150: {  	_ =	swait.ge [sflag:s9], $0x500  }
0x151: {  	[sflag:s9] =	ssyncset.done $0x0  }
0x152: {  	[sflag:s9] =	ssyncadd.s32 $0xFFFFFB00  }
0x153: {  	v3 =	vld [tilespmem:s23+$0x2720]  }
0x154: {  	v4 =	vld [tilespmem:s23+$0x2EF0]  }
0x155: {  	v5 =	vld [tilespmem:s23+$0x2730]  }
0x156: {  	v6 =	vld [tilespmem:s23+$0x2F00]  }
0x157: {  	v9 =	vld [tilespmem:s23+$0x2740]  }
0x158: {  	v10 =	vld [tilespmem:s23+$0x2F10]  }
0x159: {  	v11 =	vld [tilespmem:s23+$0x2750]  }
0x15a: {  	v12 =	vld [tilespmem:s23+$0x2F20]  }
0x15b: {  	v13 =	vld [tilespmem:s23+$0x2760]  }
0x15c: {  	v3 =	vld.idx.msk [tilespmem:v3+s4+$0x0], $0xffff  }
0x15d: {  	v7 =	vld.idx.msk [tilespmem:v4+s4+$0x0], $0xffff  }
0x15e: {  	v5 =	vld.idx.msk [tilespmem:v5+s4+$0x0], $0xffff  }
0x15f: {  	v8 =	vld.idx.msk [tilespmem:v6+s4+$0x0], $0xffff  }
0x160: {  	v14 =	vld [tilespmem:s23+$0x2F30];
	_ =	sdelay $0x1  }
0x161: {  	v3 =	vshll.u32 v3, $0x10;
	v7 =	vand.u32 $0xFFFF0000, v7  }
0x162: {  	v3 =	vadd.f32 v7, v3;
	v7 =	vld.idx.msk [tilespmem:v9+s4+$0x0], $0xffff  }
0x163: {  	v5 =	vshll.u32 v5, $0x10;
	v8 =	vand.u32 $0xFFFF0000, v8;
	v9 =	vld.idx.msk [tilespmem:v10+s4+$0x0], $0xffff  }
0x164: {  	v5 =	vadd.f32 v8, v5;
	v8 =	vld.idx.msk [tilespmem:v11+s4+$0x0], $0xffff  }
0x165: {  	v11 =	vld.idx.msk [tilespmem:v12+s4+$0x0], $0xffff;
	v15 =	vmul.f32 $2.000000030e-01, v3  }
0x166: {  	v13 =	vld.idx.msk [tilespmem:v13+s4+$0x0], $0xffff;
	vm0 =	vge.f32 v3, $0.0e+00  }
0x167: {  	v16 =	vld.idx.msk [tilespmem:v14+s4+$0x0], $0xffff;
	v3 =	vsel vm0, v3, v15  }
0x168: {  	vm12 =	vge.f32 v5, $0.0e+00;
	v15 =	vmul.f32 $2.000000030e-01, v5;
	v3 =	vsub.f32 v3, v2  }
0x169: {  	v7 =	vshll.u32 v7, $0x10;
	v9 =	vand.u32 $0xFFFF0000, v9;
	v8 =	vshll.u32 v8, $0x10  }
0x16a: {  	v5 =	vsel vm12, v5, v15;
	v7 =	vadd.f32 v9, v7;
	v9 =	vand.u32 $0xFFFF0000, v11  }
0x16b: {  	v5 =	vsub.f32 v5, v2;
	v8 =	vadd.f32 v9, v8  }
0x16c: {  	v9 =	vshll.u32 v13, $0x10;
	v13 =	vand.u32 $0xFFFF0000, v16;
	v11 =	vmul.f32 $2.000000030e-01, v7  }
0x16d: {  	v3 =	vmul.f32 $1.442695020e+00, v3;
	vm13 =	vge.f32 v7, $0.0e+00;
	v9 =	vadd.f32 v13, v9  }
0x16e: {  	v5 =	vmul.f32 $1.442695020e+00, v5;
	v7 =	vsel vm13, v7, v11;
	v11 =	vmul.f32 $2.000000030e-01, v8  }
0x16f: {  	(erf) = vpow2.f32 v3;
	vm14 =	vge.f32 v8, $0.0e+00;
	v3 =	vsub.f32 v7, v2  }
0x170: {  	(erf) = vpow2.f32 v5;
	v7 =	vmul.f32 $2.000000030e-01, v9;
	v5 =	vsel vm14, v8, v11  }
0x171: {  	vm15 =	vge.f32 v9, $0.0e+00;
	v3 =	vmul.f32 $1.442695020e+00, v3;
	v5 =	vsub.f32 v5, v2  }
0x172: {  	s22 =	sadd.s32 $0x2, s22;
	v7 =	vsel vm15, v9, v7  }
0x173: {  	s28 =	smulhi.u32 $0x51EB851F, s22;
	(erf) = vpow2.f32 v3;
	v3 =	vmul.f32 $1.442695020e+00, v5;
	v5 =	vsub.f32 v7, v2;
	_ =	sdelay $0x1  }
0x174: {  	s23 =	sshrl.u32 s28, $0x3;
	(erf) = vpow2.f32 v3;
	v3 =	vmul.f32 $1.442695020e+00, v5  }
0x175: {  	s23 =	smul.u32 $0x19, s23  }
0x176: {  	(erf) = vpow2.f32 v3  }
0x177: {  	s23 =	ssub.s32 s22, s23;
	[tilespmem:$0x8C10] =	vst v4  }
0x178: {  	p0 =	sne.s32 s23, $0x0;
	[tilespmem:$0x8C20] =	vst v6  }
0x179: {  	s22 =	smulhi.u32 @!p0 $0x51EB851F, s22;
	[tilespmem:$0x8C50] =	vst v14  }
0x17a: {  	[tilespmem:$0x8C30] =	vst v10  }
0x17b: {  	s22 =	sshrl.u32 @!p0 s22, $0x3;
	[tilespmem:$0x8C40] =	vst v12;
	v3 =	vpop (erf)  }
0x17c: {  	s22 =	smul.u32 @!p0 $0x7D0, s22;
	[tilespmem:$0x8BC0] =	vst v3;
	v3 =	vpop (erf)  }
0x17d: {  	[tilespmem:$0x8BD0] =	vst v3;
	v3 =	vpop (erf)  }
0x17e: {  	s22 =	sadd.s32 @!p0 s10, s22;
	[tilespmem:$0x8BE0] =	vst v3;
	v3 =	vpop (erf)  }
0x17f: {  	s22 =	sshrl.u32 @!p0 s22, $0x3;
	[tilespmem:$0x8BF0] =	vst v3;
	v3 =	vpop (erf)  }
0x180: {  	s25 =	simm.s32 @!p0 $0x0;
	s26 =	simm.s32 @!p0 $0x2720;
	s24 =	sadd.s32 @!p0 s6, s22;
	[tilespmem:$0x8C00] =	vst v3  }
0x181: {  	[tilespmem:s26], [sflag:$0x3] =	stream.linear.gather @!p0 [hbm4b:s24+s25], $0x7D0, $0x38;
	[tilespmem:$0x1F460] =	vst v63  }
0x182: {  	s24 =	simm.s32 @!p0 $0x3  }
0x183: {  	s29 =	simm.s32 $0x0;
	_ =	swait.ge @!p0 [sflag:s24], $0x7D0  }
0x184: {  	s30 =	simm.s32 $0x2;
	s23 =	smul.u32 $0x140, s23;
	[sflag:s24] =	ssyncset.done @!p0 $0x0  }
0x185: {  	s22 =	sadd.s32 @!p0 s7, s22;
	s26 =	simm.s32 @!p0 $0x2EF0;
	[sflag:s24] =	ssyncadd.s32 @!p0 $0xFFFFF830  }
0x186: {  	v3 =	vmov s29;
	[tilespmem:s26], [sflag:$0x3] =	stream.linear.gather @!p0 [hbm4b:s22+s25], $0x7D0, $0x38;
	[tilespmem:$0x1F460] =	vst v63  }
0x187: {  	v4 =	vmov s30;
	v3 =	vand.u32 $0xFFFFFFFC, v3;
	_ =	swait.ge @!p0 [sflag:s24], $0x7D0  }
0x188: {  	s23 =	sshra.s32 s23, $0x2;
	v4 =	vand.u32 $0xFFFFFFFE, v4;
	v3 =	vbroadcast v3, $0x0;
	[sflag:s24] =	ssyncset.done @!p0 $0x0  }
0x189: {  	v4 =	vbroadcast v4, $0x0;
	s22 =	sadd.s32 $0x2720, s23;
	[sflag:s24] =	ssyncadd.s32 @!p0 $0xFFFFF830  }
0x18a: {  	[tilespmem:s11], [sflag:$0x1] =	stream.indirect.gather [hbm4b:s1+s14], $0x80, s22, s14, $0xb8;
	[tilespmem:$0x1F460] =	vst v63  }
0x18b: {  	_ =	swait.ge [sflag:s19], $0x2800  }
0x18c: {  	[sflag:s19] =	ssyncset.done $0x0  }
0x18d: {  	[sflag:s19] =	ssyncadd.s32 $0xFFFFD800  }
0x18e: {  	v3 =	vld.idx.msk [tilespmem:v3+s17+$0x0], $0xffff  }
0x18f: {  	s24 =	simm.s32 $0x1;
	s22 =	simm.s32 $0x5FC0;
	v4 =	vld.idx.msk [tilespmem:v4+s17+$0x0], $0xffff  }
0x190: {  	v5 =	vmov s24;
	v6 =	vld [tilespmem:s22+$0x0]  }
0x191: {  	v5 =	vand.u32 $0xFFFFFFFD, v5;
	v7 =	vld [tilespmem:s22+$0x10]  }
0x192: {  	v5 =	vbroadcast v5, $0x0;
	v8 =	vld [tilespmem:s22+$0x20]  }
0x193: {  	v9 =	vld [tilespmem:s22+$0x30]  }
0x194: {  	v13 =	vld [tilespmem:s22+$0xFFFFFF00]  }
0x195: {  	v10 =	vld [tilespmem:s22+$0x40]  }
0x196: {  	v11 =	vld [tilespmem:s22+$0x50]  }
0x197: {  	v12 =	vld [tilespmem:s22+$0x60];
	v6 =	vmul.f32 v6, v4  }
0x198: {  	v5 =	vld.idx.msk [tilespmem:v5+s17+$0x0], $0xffff;
	v8 =	vmul.f32 v8, v4  }
0x199: {  	v13 =	vmul.f32 v13, v3;
	[tilespmem:s22+$0x0] =	vst v6;
	v6 =	vmul.f32 v7, v4;
	v7 =	vld [tilespmem:s22+$0x70]  }
0x19a: {  	[tilespmem:s22+$0x20] =	vst v8;
	v8 =	vmul.f32 v10, v4;
	v10 =	vld [tilespmem:s22+$0xFFFFFF20]  }
0x19b: {  	[tilespmem:s22+$0xFFFFFF00] =	vst v13;
	v13 =	vld [tilespmem:s22+$0xFFFFFF90]  }
0x19c: {  	[tilespmem:s22+$0x10] =	vst v6;
	v6 =	vmul.f32 v9, v4;
	v9 =	vld [tilespmem:s22+$0xFFFFFF10]  }
0x19d: {  	v15 =	vld [tilespmem:s22+$0xFFFFFFD0];
	[tilespmem:s22+$0x40] =	vst v8;
	v8 =	vmul.f32 v12, v4  }
0x19e: {  	v12 =	vld [tilespmem:s22+$0xFFFFFF40];
	[tilespmem:s22+$0x30] =	vst v6;
	v6 =	vmul.f32 v11, v4  }
0x19f: {  	v11 =	vld [tilespmem:s22+$0xFFFFFF30];
	[tilespmem:s22+$0x60] =	vst v8;
	v10 =	vmul.f32 v10, v3  }
0x1a0: {  	v8 =	vld [tilespmem:s22+$0xFFFFFF60];
	v13 =	vmul.f32 v13, v5;
	[tilespmem:s22+$0x50] =	vst v6  }
0x1a1: {  	v6 =	vmul.f32 v7, v4;
	v7 =	vld [tilespmem:s22+$0xFFFFFF50];
	v9 =	vmul.f32 v9, v3;
	[tilespmem:s22+$0xFFFFFF20] =	vst v10  }
0x1a2: {  	v10 =	vld [tilespmem:s22+$0xFFFFFFB0];
	[tilespmem:s22+$0xFFFFFF90] =	vst v13  }
0x1a3: {  	v4 =	vmul.f32 v1, v4;
	[tilespmem:s22+$0xFFFFFF10] =	vst v9;
	v9 =	vld [tilespmem:s22+$0xFFFFFFA0]  }
0x1a4: {  	s23 =	simm.s32 $0x86E0;
	v17 =	vld [tilespmem:s22+$0xB0];
	[tilespmem:s22+$0x70] =	vst v6;
	v11 =	vmul.f32 v11, v3  }
0x1a5: {  	s25 =	simm.s32 $0x3;
	v12 =	vmul.f32 v12, v3;
	[tilespmem:s23+$0x0] =	vst v4;
	v4 =	vld [tilespmem:s22+$0xFFFFFF80]  }
0x1a6: {  	v14 =	vmov s25;
	v8 =	vmul.f32 v8, v3;
	[tilespmem:s22+$0xFFFFFF30] =	vst v11;
	v11 =	vld [tilespmem:s22+$0xFFFFFFC0]  }
0x1a7: {  	v6 =	vld [tilespmem:s22+$0xFFFFFF70];
	[tilespmem:s22+$0xFFFFFF40] =	vst v12;
	v7 =	vmul.f32 v7, v3  }
0x1a8: {  	s26 =	simm.s32 $0x4;
	[tilespmem:s22+$0xFFFFFF60] =	vst v8;
	v10 =	vmul.f32 v10, v5;
	v8 =	vmul.f32 v9, v5;
	v9 =	vld [tilespmem:s22+$0xFFFFFFF0]  }
0x1a9: {  	v13 =	vmov s26;
	[tilespmem:s22+$0xFFFFFF50] =	vst v7;
	v7 =	vld [tilespmem:s22+$0xFFFFFFE0]  }
0x1aa: {  	s29 =	simm.s32 $0x5;
	v18 =	vld [tilespmem:s22+$0xC0];
	v13 =	vand.u32 $0xFFFFFFFC, v13;
	v12 =	vmul.f32 v4, v5;
	[tilespmem:s22+$0xFFFFFFB0] =	vst v10  }
0x1ab: {  	v63 =	vmov s29;
	v13 =	vbroadcast v13, $0x0;
	v4 =	vld.idx.msk [tilespmem:v14+s17+$0x0], $0xffff;
	[tilespmem:s22+$0xFFFFFFA0] =	vst v8;
	v8 =	vmul.f32 v11, v5  }
0x1ac: {  	s30 =	simm.s32 $0x6;
	v16 =	vand.u32 $0xFFFFFFFD, v63;
	v20 =	vmul.f32 v6, v3;
	v10 =	vmul.f32 v15, v5;
	v15 =	vld [tilespmem:s22+$0xA0];
	[tilespmem:s22+$0xFFFFFF80] =	vst v12  }
0x1ad: {  	s28 =	simm.s32 $0x7;
	v16 =	vbroadcast v16, $0x0;
	v12 =	vld [tilespmem:s22+$0x80];
	[tilespmem:s22+$0xFFFFFFC0] =	vst v8;
	v8 =	vmul.f32 v9, v5;
	v9 =	vmov s30  }
0x1ae: {  	v14 =	vmov s28;
	[tilespmem:s22+$0xFFFFFF70] =	vst v20;
	v11 =	vld [tilespmem:s22+$0x90];
	v7 =	vmul.f32 v7, v5;
	v6 =	vand.u32 $0xFFFFFFFE, v9  }
0x1af: {  	v19 =	vld [tilespmem:s22+$0xD0];
	[tilespmem:s22+$0xFFFFFFD0] =	vst v10;
	v9 =	vbroadcast v6, $0x0  }
0x1b0: {  	v21 =	vmul.f32 v1, v3;
	[tilespmem:s22+$0xFFFFFFE0] =	vst v7;
	v7 =	vld [tilespmem:s22+$0xE0]  }
0x1b1: {  	v5 =	vmul.f32 v1, v5;
	[tilespmem:s22+$0xFFFFFFF0] =	vst v8;
	v8 =	vld [tilespmem:s22+$0xF0]  }
0x1b2: {  	v3 =	vld.idx.msk [tilespmem:v13+s17+$0x0], $0xffff;
	[tilespmem:s23+$0xFFFFFFE0] =	vst v21;
	v13 =	vmul.f32 v18, v4;
	v22 =	vmul.f32 v12, v4  }
0x1b3: {  	v10 =	vmul.f32 v11, v4;
	v6 =	vld.idx.msk [tilespmem:v14+s17+$0x0], $0xffff;
	v11 =	vmul.f32 v15, v4;
	[tilespmem:s23+$0xFFFFFFF0] =	vst v5  }
0x1b4: {  	s25 =	simm.s32 $0x8;
	s24 =	simm.s32 $0x5FC0;
	v12 =	vmul.f32 v17, v4;
	v14 =	vmul.f32 v19, v4;
	v5 =	vld.idx.msk [tilespmem:v16+s17+$0x0], $0xffff;
	[tilespmem:s22+$0x80] =	vst v22  }
.LBB2_7:
0x1b5: {  	p0 =	slt.u32 s25, $0x4C;
	v9 =	vld.idx.msk [tilespmem:v9+s17+$0x0], $0xffff;
	[tilespmem:s22+$0x90] =	vst v10;
	v7 =	vmul.f32 v7, v4;
	s24 =	sadd.s32 $0x200, s24  }
0x1b6: {  	v10 =	vld [tilespmem:s24+$0x0];
	[tilespmem:s22+$0xA0] =	vst v11;
	v8 =	vmul.f32 v8, v4  }
0x1b7: {  	v11 =	vld [tilespmem:s24+$0x10];
	[tilespmem:s22+$0xB0] =	vst v12  }
0x1b8: {  	v12 =	vld [tilespmem:s24+$0x20];
	[tilespmem:s22+$0xC0] =	vst v13  }
0x1b9: {  	v13 =	vld [tilespmem:s24+$0x30];
	[tilespmem:s22+$0xD0] =	vst v14  }
0x1ba: {  	v14 =	vld [tilespmem:s24+$0x40];
	[tilespmem:s22+$0xE0] =	vst v7;
	v7 =	vmul.f32 v1, v4;
	v4 =	vmov v6  }
0x1bb: {  	v6 =	vmul.f32 v10, v9;
	v10 =	vld [tilespmem:s24+$0x50];
	[tilespmem:s22+$0xF0] =	vst v8;
	s22 =	smov.u32 s24  }
0x1bc: {  	v8 =	vmul.f32 v11, v9;
	v11 =	vld [tilespmem:s24+$0x60];
	[tilespmem:s23+$0x10] =	vst v7  }
0x1bd: {  	[tilespmem:s24+$0x0] =	vst v6;
	v6 =	vmul.f32 v12, v9;
	v7 =	vld [tilespmem:s24+$0x70]  }
0x1be: {  	v12 =	vld [tilespmem:s24+$0xFFFFFF00];
	[tilespmem:s24+$0x10] =	vst v8;
	v8 =	vmul.f32 v13, v9  }
0x1bf: {  	v13 =	vld [tilespmem:s24+$0xFFFFFF10];
	[tilespmem:s24+$0x20] =	vst v6;
	v6 =	vmul.f32 v14, v9  }
0x1c0: {  	v14 =	vld [tilespmem:s24+$0xFFFFFF20];
	[tilespmem:s24+$0x30] =	vst v8;
	v8 =	vmul.f32 v10, v9  }
0x1c1: {  	v10 =	vld [tilespmem:s24+$0xFFFFFF30];
	[tilespmem:s24+$0x40] =	vst v6;
	v6 =	vmul.f32 v11, v9  }
0x1c2: {  	v11 =	vld [tilespmem:s24+$0xFFFFFF40];
	[tilespmem:s24+$0x50] =	vst v8;
	v7 =	vmul.f32 v7, v9  }
0x1c3: {  	v8 =	vmul.f32 v12, v3;
	v12 =	vld [tilespmem:s24+$0xFFFFFF50];
	[tilespmem:s24+$0x60] =	vst v6;
	v6 =	vmul.f32 v1, v9  }
0x1c4: {  	s23 =	sadd.s32 $0x40, s23;
	v9 =	vmul.f32 v13, v3;
	v13 =	vld [tilespmem:s24+$0xFFFFFF60];
	[tilespmem:s24+$0x70] =	vst v7  }
0x1c5: {  	v7 =	vmul.f32 v14, v3;
	v14 =	vld [tilespmem:s24+$0xFFFFFF70];
	[tilespmem:s23+$0x0] =	vst v6  }
0x1c6: {  	[tilespmem:s24+$0xFFFFFF00] =	vst v8;
	v6 =	vmul.f32 v10, v3;
	v8 =	vld [tilespmem:s24+$0xFFFFFF80]  }
0x1c7: {  	[tilespmem:s24+$0xFFFFFF10] =	vst v9;
	v9 =	vmul.f32 v11, v3;
	v10 =	vld [tilespmem:s24+$0xFFFFFF90]  }
0x1c8: {  	[tilespmem:s24+$0xFFFFFF20] =	vst v7;
	v7 =	vmul.f32 v12, v3;
	v11 =	vld [tilespmem:s24+$0xFFFFFFA0]  }
0x1c9: {  	[tilespmem:s24+$0xFFFFFF30] =	vst v6;
	v6 =	vmul.f32 v13, v3;
	v12 =	vld [tilespmem:s24+$0xFFFFFFB0]  }
0x1ca: {  	[tilespmem:s24+$0xFFFFFF40] =	vst v9;
	v13 =	vmul.f32 v14, v3;
	v9 =	vld [tilespmem:s24+$0xFFFFFFC0]  }
0x1cb: {  	[tilespmem:s24+$0xFFFFFF50] =	vst v7;
	v7 =	vmul.f32 v8, v5;
	v8 =	vld [tilespmem:s24+$0xFFFFFFD0]  }
0x1cc: {  	[tilespmem:s24+$0xFFFFFF60] =	vst v6;
	v6 =	vmul.f32 v10, v5;
	v10 =	vld [tilespmem:s24+$0xFFFFFFE0]  }
0x1cd: {  	s26 =	sadd.s32 $0x3, s25;
	[tilespmem:s24+$0xFFFFFF80] =	vst v7;
	v7 =	vmul.f32 v11, v5;
	v11 =	vld [tilespmem:s24+$0xFFFFFFF0]  }
0x1ce: {  	s28 =	sadd.s32 $0x1, s25;
	v15 =	vmov s26;
	v14 =	vmov s25;
	[tilespmem:s24+$0xFFFFFF90] =	vst v6;
	v6 =	vmul.f32 v12, v5;
	v12 =	vld [tilespmem:s24+$0x80]  }
0x1cf: {  	v16 =	vmov s28;
	v14 =	vand.u32 $0xFFFFFFFC, v14;
	[tilespmem:s24+$0xFFFFFFA0] =	vst v7;
	v7 =	vmul.f32 v9, v5;
	v17 =	vld [tilespmem:s24+$0x90]  }
0x1d0: {  	s26 =	sadd.s32 $0x2, s25;
	v14 =	vbroadcast v14, $0x0;
	v9 =	vand.u32 $0xFFFFFFFD, v16;
	[tilespmem:s24+$0xFFFFFFB0] =	vst v6;
	v6 =	vmul.f32 v8, v5;
	v8 =	vld [tilespmem:s24+$0xA0]  }
0x1d1: {  	v16 =	vbroadcast v9, $0x0;
	v9 =	vmov s26;
	[tilespmem:s24+$0xFFFFFFC0] =	vst v7;
	v7 =	vmul.f32 v10, v5;
	v18 =	vld [tilespmem:s24+$0xB0]  }
0x1d2: {  	v9 =	vand.u32 $0xFFFFFFFE, v9;
	[tilespmem:s24+$0xFFFFFFD0] =	vst v6;
	v6 =	vmul.f32 v11, v5;
	v5 =	vmul.f32 v1, v5;
	v19 =	vld [tilespmem:s24+$0xC0]  }
0x1d3: {  	v9 =	vbroadcast v9, $0x0;
	[tilespmem:s24+$0xFFFFFFE0] =	vst v7;
	v20 =	vmul.f32 v12, v4;
	v21 =	vld [tilespmem:s24+$0xD0]  }
.Ltmp2:
0x1d4: {  	[tilespmem:s24+$0xFFFFFFF0] =	vst v6;
	v10 =	vmul.f32 v17, v4;
	v7 =	vld [tilespmem:s24+$0xE0];
	(pc) =	sbr.rel @p0 .LBB2_7-.Ltmp2, $4  }
0x1d5: {  	v17 =	vmul.f32 v1, v3;
	[tilespmem:s23+$0xFFFFFFF0] =	vst v5;
	v11 =	vmul.f32 v8, v4;
	v8 =	vld [tilespmem:s24+$0xF0]  }
0x1d6: {  	v6 =	vld.idx.msk [tilespmem:v15+s17+$0x0], $0xffff;
	[tilespmem:s24+$0xFFFFFF70] =	vst v13;
	v12 =	vmul.f32 v18, v4  }
0x1d7: {  	v3 =	vld.idx.msk [tilespmem:v14+s17+$0x0], $0xffff;
	[tilespmem:s23+$0xFFFFFFE0] =	vst v17;
	v13 =	vmul.f32 v19, v4  }
0x1d8: {  	s25 =	sadd.s32 $0x4, s25;
	v5 =	vld.idx.msk [tilespmem:v16+s17+$0x0], $0xffff;
	[tilespmem:s24+$0x80] =	vst v20;
	v14 =	vmul.f32 v21, v4  }
0x1d9: {  	_ =	sdelay $0x3  }
0x1da: {  	v9 =	vld.idx.msk [tilespmem:v9+s17+$0x0], $0xffff;
	[tilespmem:s22+$0x90] =	vst v10;
	s24 =	sadd.s32 $0x200, s24  }
0x1db: {  	[tilespmem:s22+$0xA0] =	vst v11;
	v52 =	vld [tilespmem:s24+$0x0]  }
0x1dc: {  	[tilespmem:s22+$0xB0] =	vst v12;
	v53 =	vld [tilespmem:s24+$0x10]  }
0x1dd: {  	v7 =	vmul.f32 v7, v4;
	[tilespmem:s22+$0xC0] =	vst v13;
	v54 =	vld [tilespmem:s24+$0x20]  }
0x1de: {  	v8 =	vmul.f32 v8, v4;
	v55 =	vld [tilespmem:s24+$0x30];
	[tilespmem:s22+$0xD0] =	vst v14  }
0x1df: {  	v57 =	vmul.f32 v1, v4;
	v56 =	vld [tilespmem:s24+$0x40];
	[tilespmem:s22+$0xE0] =	vst v7  }
0x1e0: {  	v59 =	vld [tilespmem:s24+$0x50];
	[tilespmem:s22+$0xF0] =	vst v8;
	v58 =	vmul.f32 v52, v9  }
0x1e1: {  	v61 =	vld [tilespmem:s24+$0x60];
	[tilespmem:s23+$0x10] =	vst v57;
	v60 =	vmul.f32 v53, v9  }
0x1e2: {  	v63 =	vld [tilespmem:s24+$0x70];
	v62 =	vmul.f32 v54, v9;
	[tilespmem:s24+$0x0] =	vst v58  }
0x1e3: {  	v17 =	vld [tilespmem:s24+$0xFFFFFF00];
	v16 =	vmul.f32 v55, v9;
	[tilespmem:s24+$0x10] =	vst v60  }
0x1e4: {  	v19 =	vld [tilespmem:s24+$0xFFFFFF10];
	v18 =	vmul.f32 v56, v9;
	[tilespmem:s24+$0x20] =	vst v62  }
0x1e5: {  	v21 =	vld [tilespmem:s24+$0xFFFFFF20];
	v20 =	vmul.f32 v59, v9;
	[tilespmem:s24+$0x30] =	vst v16  }
0x1e6: {  	v23 =	vld [tilespmem:s24+$0xFFFFFF30];
	v22 =	vmul.f32 v61, v9;
	[tilespmem:s24+$0x40] =	vst v18  }
0x1e7: {  	v24 =	vld [tilespmem:s24+$0xFFFFFF40];
	v7 =	vmul.f32 v63, v9;
	[tilespmem:s24+$0x50] =	vst v20  }
0x1e8: {  	v27 =	vld [tilespmem:s24+$0xFFFFFF50];
	v26 =	vmul.f32 v17, v3;
	[tilespmem:s24+$0x60] =	vst v22  }
0x1e9: {  	v29 =	vld [tilespmem:s24+$0xFFFFFF60];
	v28 =	vmul.f32 v19, v3;
	[tilespmem:s24+$0x70] =	vst v7  }
0x1ea: {  	v31 =	vld [tilespmem:s24+$0xFFFFFF80];
	v30 =	vmul.f32 v21, v3;
	[tilespmem:s24+$0xFFFFFF00] =	vst v26  }
0x1eb: {  	v34 =	vld [tilespmem:s24+$0xFFFFFFA0];
	v32 =	vmul.f32 v23, v3;
	[tilespmem:s24+$0xFFFFFF10] =	vst v28  }
0x1ec: {  	v36 =	vld [tilespmem:s24+$0xFFFFFFB0];
	v8 =	vmul.f32 v24, v3;
	[tilespmem:s24+$0xFFFFFF20] =	vst v30  }
0x1ed: {  	v38 =	vld [tilespmem:s24+$0xFFFFFFC0];
	v35 =	vmul.f32 v27, v3;
	[tilespmem:s24+$0xFFFFFF30] =	vst v32  }
0x1ee: {  	v39 =	vld [tilespmem:s24+$0xFFFFFFD0];
	v37 =	vmul.f32 v29, v3;
	[tilespmem:s24+$0xFFFFFF40] =	vst v8  }
0x1ef: {  	v40 =	vld [tilespmem:s24+$0xFFFFFFE0];
	v25 =	vmul.f32 v1, v9;
	v9 =	vmul.f32 v31, v5;
	[tilespmem:s24+$0xFFFFFF50] =	vst v35  }
0x1f0: {  	v41 =	vld [tilespmem:s24+$0xFFFFFFF0];
	v4 =	vmul.f32 v34, v5;
	[tilespmem:s24+$0xFFFFFF60] =	vst v37  }
0x1f1: {  	v43 =	vld [tilespmem:s24+$0xFFFFFF70];
	v42 =	vmul.f32 v36, v5;
	[tilespmem:s24+$0xFFFFFF80] =	vst v9  }
0x1f2: {  	v46 =	vld [tilespmem:s24+$0x80];
	v44 =	vmul.f32 v38, v5;
	[tilespmem:s24+$0xFFFFFFA0] =	vst v4  }
0x1f3: {  	v48 =	vld [tilespmem:s24+$0x90];
	v45 =	vmul.f32 v39, v5;
	[tilespmem:s24+$0xFFFFFFB0] =	vst v42  }
0x1f4: {  	v47 =	vmul.f32 v40, v5;
	[tilespmem:s24+$0xFFFFFFC0] =	vst v44  }
0x1f5: {  	v49 =	vmul.f32 v41, v5;
	[tilespmem:s24+$0xFFFFFFD0] =	vst v45  }
0x1f6: {  	v33 =	vld [tilespmem:s24+$0xFFFFFF90];
	v52 =	vmul.f32 v43, v3;
	[tilespmem:s24+$0xFFFFFFE0] =	vst v47  }
0x1f7: {  	v55 =	vmul.f32 v46, v6;
	[tilespmem:s24+$0xFFFFFFF0] =	vst v49  }
0x1f8: {  	v50 =	vld [tilespmem:s24+$0xA0];
	v57 =	vmul.f32 v48, v6;
	[tilespmem:s24+$0xFFFFFF70] =	vst v52  }
0x1f9: {  	v53 =	vld [tilespmem:s24+$0xB0];
	[tilespmem:s24+$0x80] =	vst v55  }
0x1fa: {  	s30 =	sadd.s32 $0x40, s23;
	v54 =	vld [tilespmem:s24+$0xC0];
	v3 =	vmul.f32 v1, v3;
	[tilespmem:s24+$0x90] =	vst v57  }
0x1fb: {  	v56 =	vld [tilespmem:s24+$0xD0];
	v7 =	vmul.f32 v33, v5;
	[tilespmem:s30+$0x0] =	vst v25  }
0x1fc: {  	v51 =	vmul.f32 v1, v5;
	v59 =	vld [tilespmem:s24+$0xF0];
	[tilespmem:s30+$0xFFFFFFE0] =	vst v3  }
0x1fd: {  	v58 =	vld [tilespmem:s24+$0xE0];
	v3 =	vmul.f32 v50, v6;
	[tilespmem:s24+$0xFFFFFF90] =	vst v7  }
0x1fe: {  	[tilespmem:s30+$0xFFFFFFF0] =	vst v51;
	v60 =	vmul.f32 v53, v6  }
0x1ff: {  	v61 =	vmul.f32 v54, v6;
	[tilespmem:s24+$0xA0] =	vst v3  }
0x200: {  	v3 =	vmul.f32 v56, v6;
	[tilespmem:s24+$0xB0] =	vst v60  }
0x201: {  	v63 =	vmul.f32 v59, v6;
	[tilespmem:s24+$0xC0] =	vst v61  }
0x202: {  	v62 =	vmul.f32 v58, v6;
	[tilespmem:s24+$0xD0] =	vst v3  }
0x203: {  	v3 =	vmul.f32 v1, v6;
	[tilespmem:s24+$0xF0] =	vst v63  }
0x204: {  	[tilespmem:s24+$0xE0] =	vst v62  }
0x205: {  	[tilespmem:s30+$0x10] =	vst v3  }
0x206: {  	[spmem:s2] =	stream.indirect.scatter.add.f32 [tilespmem:s15], [sflag:$0x3], $0x80, s18, s14, $0xb8;
	[tilespmem:$0x1F460] =	vst v63  }
0x207: {  	s13 =	sadd.s32 $0x1, s13;
	_ =	swait.ge [sflag:s9], $0x2800  }
0x208: {  	p0 =	sne.s32 s13, $0x3E;
	[sflag:s9] =	ssyncset.done $0x0  }
.Ltmp3:
0x209: {  	[sflag:s9] =	ssyncadd.s32 $0xFFFFD800;
	(pc) =	sbr.rel @p0 .LBB2_4-.Ltmp3, $4  }
0x20a: {  	[spmem:s3] =	stream.indirect.scatter.add.f32 [tilespmem:s12], [sflag:$0x3], $0x10, s18, s14, $0xb8;
	[tilespmem:$0x1F460] =	vst v63  }
0x20b: {  	_ =	swait.ge [sflag:s9], $0x500  }
0x20c: {  	[sflag:s9] =	ssyncset.done $0x0  }
0x20d: {  	[sflag:s9] =	ssyncadd.s32 $0xFFFFFB00  }
0x20e: {  	v3 =	vld [tilespmem:$0x2EA0]  }
0x20f: {  	v4 =	vld [tilespmem:$0x3670]  }
0x210: {  	v5 =	vld [tilespmem:$0x2EB0]  }
0x211: {  	v6 =	vld [tilespmem:$0x3680]  }
0x212: {  	v9 =	vld [tilespmem:$0x2EC0]  }
0x213: {  	v10 =	vld [tilespmem:$0x3690]  }
0x214: {  	v11 =	vld [tilespmem:$0x2ED0]  }
0x215: {  	v12 =	vld [tilespmem:$0x36A0]  }
0x216: {  	v13 =	vld [tilespmem:$0x2EE0]  }
0x217: {  	s13 =	simm.s32 $0x0;
	v14 =	vld [tilespmem:$0x36B0]  }
0x218: {  	v3 =	vld.idx.msk [tilespmem:v3+s13+$0x0], $0xffff  }
0x219: {  	v7 =	vld.idx.msk [tilespmem:v4+s13+$0x0], $0xffff  }
0x21a: {  	v5 =	vld.idx.msk [tilespmem:v5+s13+$0x0], $0xffff  }
0x21b: {  	v8 =	vld.idx.msk [tilespmem:v6+s13+$0x0], $0xffff;
	_ =	sdelay $0x2  }
0x21c: {  	v9 =	vld.idx.msk [tilespmem:v9+s13+$0x0], $0xffff;
	v3 =	vshll.u32 v3, $0x10;
	v7 =	vand.u32 $0xFFFF0000, v7  }
0x21d: {  	v16 =	vld.idx.msk [tilespmem:v12+s13+$0x0], $0xffff;
	v3 =	vadd.f32 v7, v3  }
0x21e: {  	v5 =	vshll.u32 v5, $0x10;
	v8 =	vand.u32 $0xFFFF0000, v8;
	v7 =	vld.idx.msk [tilespmem:v10+s13+$0x0], $0xffff  }
0x21f: {  	v5 =	vadd.f32 v8, v5;
	v8 =	vld.idx.msk [tilespmem:v11+s13+$0x0], $0xffff;
	v11 =	vmul.f32 $2.000000030e-01, v3  }
0x220: {  	v13 =	vld.idx.msk [tilespmem:v13+s13+$0x0], $0xffff;
	vm0 =	vge.f32 v3, $0.0e+00  }
0x221: {  	v15 =	vmul.f32 $2.000000030e-01, v5;
	v3 =	vsel vm0, v3, v11;
	v11 =	vld.idx.msk [tilespmem:v14+s13+$0x0], $0xffff  }
0x222: {  	v9 =	vshll.u32 v9, $0x10;
	vm1 =	vge.f32 v5, $0.0e+00  }
0x223: {  	v5 =	vsel vm1, v5, v15;
	v3 =	vsub.f32 v3, v2;
	v7 =	vand.u32 $0xFFFF0000, v7  }
0x224: {  	v8 =	vshll.u32 v8, $0x10;
	v7 =	vadd.f32 v7, v9;
	v9 =	vand.u32 $0xFFFF0000, v16  }
0x225: {  	v5 =	vsub.f32 v5, v2;
	v3 =	vmul.f32 $1.442695020e+00, v3;
	v8 =	vadd.f32 v9, v8  }
0x226: {  	v9 =	vshll.u32 v13, $0x10;
	v15 =	vmul.f32 $2.000000030e-01, v7;
	v11 =	vand.u32 $0xFFFF0000, v11  }
0x227: {  	v5 =	vmul.f32 $1.442695020e+00, v5;
	vm13 =	vge.f32 v7, $0.0e+00;
	v9 =	vadd.f32 v11, v9  }
0x228: {  	v13 =	vmul.f32 $2.000000030e-01, v8;
	(erf) = vpow2.f32 v3;
	v7 =	vsel vm13, v7, v15  }
0x229: {  	vm14 =	vge.f32 v8, $0.0e+00;
	v3 =	vsub.f32 v7, v2;
	v7 =	vmul.f32 $2.000000030e-01, v9  }
0x22a: {  	(erf) = vpow2.f32 v5;
	v5 =	vsel vm14, v8, v13;
	vm15 =	vge.f32 v9, $0.0e+00  }
0x22b: {  	v5 =	vsub.f32 v5, v2;
	v3 =	vmul.f32 $1.442695020e+00, v3;
	v7 =	vsel vm15, v9, v7  }
0x22c: {  	v2 =	vsub.f32 v7, v2  }
0x22d: {  	(erf) = vpow2.f32 v3;
	v3 =	vmul.f32 $1.442695020e+00, v5  }
0x22e: {  	v2 =	vmul.f32 $1.442695020e+00, v2  }
0x22f: {  	(erf) = vpow2.f32 v3  }
0x230: {  	(erf) = vpow2.f32 v2  }
0x231: {  	[tilespmem:$0x8C10] =	vst v4  }
0x232: {  	[tilespmem:$0x8C20] =	vst v6  }
0x233: {  	[tilespmem:$0x8C30] =	vst v10  }
0x234: {  	[tilespmem:$0x8C40] =	vst v12  }
0x235: {  	[tilespmem:$0x8C50] =	vst v14;
	v2 =	vpop (erf)  }
0x236: {  	[tilespmem:$0x8BC0] =	vst v2;
	v2 =	vpop (erf)  }
0x237: {  	[tilespmem:$0x8BD0] =	vst v2;
	v2 =	vpop (erf)  }
0x238: {  	[tilespmem:$0x8BE0] =	vst v2;
	v2 =	vpop (erf)  }
0x239: {  	[tilespmem:$0x8BF0] =	vst v2;
	v4 =	vpop (erf)  }
0x23a: {  	s26 =	simm.s32 $0x2;
	v3 =	vmov s13;
	[tilespmem:$0x8C00] =	vst v4  }
0x23b: {  	v2 =	vand.u32 $0xFFFFFFFC, v3;
	v3 =	vmov s26;
	_ =	swait.ge [sflag:s16], $0x2800  }
0x23c: {  	v2 =	vbroadcast v2, $0x0;
	v3 =	vand.u32 $0xFFFFFFFE, v3;
	[sflag:s16] =	ssyncset.done $0x0  }
0x23d: {  	s13 =	simm.s32 $0x37C0;
	v3 =	vbroadcast v3, $0x0;
	[sflag:s16] =	ssyncadd.s32 $0xFFFFD800  }
0x23e: {  	v5 =	vld [tilespmem:s13+$0x0]  }
0x23f: {  	s21 =	simm.s32 $0x1;
	v6 =	vld [tilespmem:s13+$0x10]  }
0x240: {  	v4 =	vmov s21;
	v7 =	vld [tilespmem:s13+$0x20]  }
0x241: {  	v4 =	vand.u32 $0xFFFFFFFD, v4;
	v12 =	vld [tilespmem:s13+$0xFFFFFF00]  }
0x242: {  	v4 =	vbroadcast v4, $0x0;
	v2 =	vld.idx.msk [tilespmem:v2+s17+$0x0], $0xffff  }
0x243: {  	v3 =	vld.idx.msk [tilespmem:v3+s17+$0x0], $0xffff  }
0x244: {  	v8 =	vld [tilespmem:s13+$0x30]  }
0x245: {  	v9 =	vld [tilespmem:s13+$0x40]  }
0x246: {  	v10 =	vld [tilespmem:s13+$0x50]  }
0x247: {  	v11 =	vld [tilespmem:s13+$0x60];
	v12 =	vmul.f32 v12, v2  }
0x248: {  	v4 =	vld.idx.msk [tilespmem:v4+s17+$0x0], $0xffff;
	v5 =	vmul.f32 v5, v3  }
0x249: {  	v7 =	vmul.f32 v7, v3;
	[tilespmem:s13+$0xFFFFFF00] =	vst v12;
	v12 =	vld [tilespmem:s13+$0xFFFFFF90]  }
0x24a: {  	[tilespmem:s13+$0x0] =	vst v5;
	v5 =	vmul.f32 v6, v3;
	v6 =	vld [tilespmem:s13+$0x70]  }
0x24b: {  	[tilespmem:s13+$0x20] =	vst v7;
	v7 =	vmul.f32 v9, v3;
	v9 =	vld [tilespmem:s13+$0xFFFFFF20]  }
0x24c: {  	[tilespmem:s13+$0x10] =	vst v5;
	v5 =	vmul.f32 v8, v3;
	v8 =	vld [tilespmem:s13+$0xFFFFFF10]  }
0x24d: {  	v14 =	vld [tilespmem:s13+$0xFFFFFFD0];
	[tilespmem:s13+$0x40] =	vst v7;
	v7 =	vmul.f32 v11, v3  }
0x24e: {  	v11 =	vld [tilespmem:s13+$0xFFFFFF40];
	[tilespmem:s13+$0x30] =	vst v5;
	v5 =	vmul.f32 v10, v3  }
0x24f: {  	v10 =	vld [tilespmem:s13+$0xFFFFFF30];
	[tilespmem:s13+$0x60] =	vst v7;
	v12 =	vmul.f32 v12, v4  }
0x250: {  	v7 =	vld [tilespmem:s13+$0xFFFFFF60];
	v9 =	vmul.f32 v9, v2;
	[tilespmem:s13+$0x50] =	vst v5  }
0x251: {  	v5 =	vmul.f32 v6, v3;
	v6 =	vld [tilespmem:s13+$0xFFFFFF50];
	[tilespmem:s13+$0xFFFFFF90] =	vst v12;
	v8 =	vmul.f32 v8, v2  }
0x252: {  	[tilespmem:s13+$0xFFFFFF20] =	vst v9;
	v9 =	vld [tilespmem:s13+$0xFFFFFFB0]  }
0x253: {  	v3 =	vmul.f32 v1, v3;
	[tilespmem:s13+$0xFFFFFF10] =	vst v8;
	v8 =	vld [tilespmem:s13+$0xFFFFFFA0]  }
0x254: {  	s21 =	simm.s32 $0x86E0;
	v63 =	vld [tilespmem:s13+$0xB0];
	[tilespmem:s13+$0x70] =	vst v5;
	v10 =	vmul.f32 v10, v2  }
0x255: {  	s22 =	simm.s32 $0x3;
	v11 =	vmul.f32 v11, v2;
	[tilespmem:s21+$0x0] =	vst v3;
	v3 =	vld [tilespmem:s13+$0xFFFFFF80]  }
0x256: {  	v13 =	vmov s22;
	v7 =	vmul.f32 v7, v2;
	[tilespmem:s13+$0xFFFFFF30] =	vst v10;
	v10 =	vld [tilespmem:s13+$0xFFFFFFC0]  }
0x257: {  	v5 =	vld [tilespmem:s13+$0xFFFFFF70];
	[tilespmem:s13+$0xFFFFFF40] =	vst v11;
	v6 =	vmul.f32 v6, v2  }
0x258: {  	s28 =	simm.s32 $0x4;
	[tilespmem:s13+$0xFFFFFF60] =	vst v7;
	v9 =	vmul.f32 v9, v4;
	v7 =	vmul.f32 v8, v4;
	v8 =	vld [tilespmem:s13+$0xFFFFFFF0]  }
0x259: {  	v12 =	vmov s28;
	[tilespmem:s13+$0xFFFFFF50] =	vst v6;
	v6 =	vld [tilespmem:s13+$0xFFFFFFE0]  }
0x25a: {  	s29 =	simm.s32 $0x5;
	v17 =	vld [tilespmem:s13+$0xC0];
	v12 =	vand.u32 $0xFFFFFFFC, v12;
	v11 =	vmul.f32 v3, v4;
	[tilespmem:s13+$0xFFFFFFB0] =	vst v9  }
0x25b: {  	v15 =	vmov s29;
	v12 =	vbroadcast v12, $0x0;
	v3 =	vld.idx.msk [tilespmem:v13+s17+$0x0], $0xffff;
	[tilespmem:s13+$0xFFFFFFA0] =	vst v7;
	v7 =	vmul.f32 v10, v4  }
0x25c: {  	s30 =	simm.s32 $0x6;
	v15 =	vand.u32 $0xFFFFFFFD, v15;
	v19 =	vmul.f32 v5, v2;
	v9 =	vmul.f32 v14, v4;
	v14 =	vld [tilespmem:s13+$0xA0];
	[tilespmem:s13+$0xFFFFFF80] =	vst v11  }
0x25d: {  	s23 =	simm.s32 $0x7;
	v15 =	vbroadcast v15, $0x0;
	v11 =	vld [tilespmem:s13+$0x80];
	[tilespmem:s13+$0xFFFFFFC0] =	vst v7;
	v7 =	vmul.f32 v8, v4;
	v8 =	vmov s30  }
0x25e: {  	v13 =	vmov s23;
	[tilespmem:s13+$0xFFFFFF70] =	vst v19;
	v10 =	vld [tilespmem:s13+$0x90];
	v6 =	vmul.f32 v6, v4;
	v5 =	vand.u32 $0xFFFFFFFE, v8  }
0x25f: {  	v18 =	vld [tilespmem:s13+$0xD0];
	[tilespmem:s13+$0xFFFFFFD0] =	vst v9;
	v8 =	vbroadcast v5, $0x0  }
0x260: {  	v20 =	vmul.f32 v1, v2;
	[tilespmem:s13+$0xFFFFFFE0] =	vst v6;
	v6 =	vld [tilespmem:s13+$0xE0]  }
0x261: {  	v4 =	vmul.f32 v1, v4;
	[tilespmem:s13+$0xFFFFFFF0] =	vst v7;
	v7 =	vld [tilespmem:s13+$0xF0]  }
0x262: {  	v2 =	vld.idx.msk [tilespmem:v12+s17+$0x0], $0xffff;
	[tilespmem:s21+$0xFFFFFFE0] =	vst v20;
	v12 =	vmul.f32 v17, v3;
	v21 =	vmul.f32 v11, v3  }
0x263: {  	v9 =	vmul.f32 v10, v3;
	v5 =	vld.idx.msk [tilespmem:v13+s17+$0x0], $0xffff;
	v10 =	vmul.f32 v14, v3;
	[tilespmem:s21+$0xFFFFFFF0] =	vst v4  }
0x264: {  	s22 =	simm.s32 $0x37C0;
	s23 =	simm.s32 $0x8;
	v11 =	vmul.f32 v63, v3;
	v13 =	vmul.f32 v18, v3;
	v4 =	vld.idx.msk [tilespmem:v15+s17+$0x0], $0xffff;
	[tilespmem:s13+$0x80] =	vst v21  }
.LBB2_10:
0x265: {  	p0 =	slt.u32 s23, $0x4C;
	v8 =	vld.idx.msk [tilespmem:v8+s17+$0x0], $0xffff;
	[tilespmem:s13+$0x90] =	vst v9;
	v6 =	vmul.f32 v6, v3;
	s22 =	sadd.s32 $0x200, s22  }
0x266: {  	v9 =	vld [tilespmem:s22+$0x0];
	[tilespmem:s13+$0xA0] =	vst v10;
	v7 =	vmul.f32 v7, v3  }
0x267: {  	v10 =	vld [tilespmem:s22+$0x10];
	[tilespmem:s13+$0xB0] =	vst v11  }
0x268: {  	v11 =	vld [tilespmem:s22+$0x20];
	[tilespmem:s13+$0xC0] =	vst v12  }
0x269: {  	v12 =	vld [tilespmem:s22+$0x30];
	[tilespmem:s13+$0xD0] =	vst v13  }
0x26a: {  	v13 =	vld [tilespmem:s22+$0x40];
	[tilespmem:s13+$0xE0] =	vst v6;
	v6 =	vmul.f32 v1, v3;
	v3 =	vmov v5  }
0x26b: {  	v5 =	vmul.f32 v9, v8;
	v9 =	vld [tilespmem:s22+$0x50];
	[tilespmem:s13+$0xF0] =	vst v7;
	s13 =	smov.u32 s22  }
0x26c: {  	v7 =	vmul.f32 v10, v8;
	v10 =	vld [tilespmem:s22+$0x60];
	[tilespmem:s21+$0x10] =	vst v6  }
0x26d: {  	[tilespmem:s22+$0x0] =	vst v5;
	v5 =	vmul.f32 v11, v8;
	v6 =	vld [tilespmem:s22+$0x70]  }
0x26e: {  	v11 =	vld [tilespmem:s22+$0xFFFFFF00];
	[tilespmem:s22+$0x10] =	vst v7;
	v7 =	vmul.f32 v12, v8  }
0x26f: {  	v12 =	vld [tilespmem:s22+$0xFFFFFF10];
	[tilespmem:s22+$0x20] =	vst v5;
	v5 =	vmul.f32 v13, v8  }
0x270: {  	v13 =	vld [tilespmem:s22+$0xFFFFFF20];
	[tilespmem:s22+$0x30] =	vst v7;
	v7 =	vmul.f32 v9, v8  }
0x271: {  	v9 =	vld [tilespmem:s22+$0xFFFFFF30];
	[tilespmem:s22+$0x40] =	vst v5;
	v5 =	vmul.f32 v10, v8  }
0x272: {  	v10 =	vld [tilespmem:s22+$0xFFFFFF40];
	[tilespmem:s22+$0x50] =	vst v7;
	v6 =	vmul.f32 v6, v8  }
0x273: {  	v7 =	vmul.f32 v11, v2;
	v11 =	vld [tilespmem:s22+$0xFFFFFF50];
	[tilespmem:s22+$0x60] =	vst v5;
	v5 =	vmul.f32 v1, v8  }
0x274: {  	s21 =	sadd.s32 $0x40, s21;
	v8 =	vmul.f32 v12, v2;
	v12 =	vld [tilespmem:s22+$0xFFFFFF60];
	[tilespmem:s22+$0x70] =	vst v6  }
0x275: {  	v6 =	vmul.f32 v13, v2;
	v13 =	vld [tilespmem:s22+$0xFFFFFF70];
	[tilespmem:s21+$0x0] =	vst v5  }
0x276: {  	[tilespmem:s22+$0xFFFFFF00] =	vst v7;
	v5 =	vmul.f32 v9, v2;
	v7 =	vld [tilespmem:s22+$0xFFFFFF80]  }
0x277: {  	[tilespmem:s22+$0xFFFFFF10] =	vst v8;
	v8 =	vmul.f32 v10, v2;
	v9 =	vld [tilespmem:s22+$0xFFFFFF90]  }
0x278: {  	[tilespmem:s22+$0xFFFFFF20] =	vst v6;
	v6 =	vmul.f32 v11, v2;
	v10 =	vld [tilespmem:s22+$0xFFFFFFA0]  }
0x279: {  	[tilespmem:s22+$0xFFFFFF30] =	vst v5;
	v5 =	vmul.f32 v12, v2;
	v11 =	vld [tilespmem:s22+$0xFFFFFFB0]  }
0x27a: {  	[tilespmem:s22+$0xFFFFFF40] =	vst v8;
	v12 =	vmul.f32 v13, v2;
	v8 =	vld [tilespmem:s22+$0xFFFFFFC0]  }
0x27b: {  	[tilespmem:s22+$0xFFFFFF50] =	vst v6;
	v6 =	vmul.f32 v7, v4;
	v7 =	vld [tilespmem:s22+$0xFFFFFFD0]  }
0x27c: {  	[tilespmem:s22+$0xFFFFFF60] =	vst v5;
	v5 =	vmul.f32 v9, v4;
	v9 =	vld [tilespmem:s22+$0xFFFFFFE0]  }
0x27d: {  	s24 =	sadd.s32 $0x3, s23;
	[tilespmem:s22+$0xFFFFFF80] =	vst v6;
	v6 =	vmul.f32 v10, v4;
	v10 =	vld [tilespmem:s22+$0xFFFFFFF0]  }
0x27e: {  	s25 =	sadd.s32 $0x1, s23;
	v14 =	vmov s24;
	v13 =	vmov s23;
	[tilespmem:s22+$0xFFFFFF90] =	vst v5;
	v5 =	vmul.f32 v11, v4;
	v11 =	vld [tilespmem:s22+$0x80]  }
0x27f: {  	v15 =	vmov s25;
	v13 =	vand.u32 $0xFFFFFFFC, v13;
	[tilespmem:s22+$0xFFFFFFA0] =	vst v6;
	v6 =	vmul.f32 v8, v4;
	v16 =	vld [tilespmem:s22+$0x90]  }
0x280: {  	s24 =	sadd.s32 $0x2, s23;
	v13 =	vbroadcast v13, $0x0;
	v8 =	vand.u32 $0xFFFFFFFD, v15;
	[tilespmem:s22+$0xFFFFFFB0] =	vst v5;
	v5 =	vmul.f32 v7, v4;
	v7 =	vld [tilespmem:s22+$0xA0]  }
0x281: {  	v15 =	vbroadcast v8, $0x0;
	v8 =	vmov s24;
	[tilespmem:s22+$0xFFFFFFC0] =	vst v6;
	v6 =	vmul.f32 v9, v4;
	v17 =	vld [tilespmem:s22+$0xB0]  }
0x282: {  	v8 =	vand.u32 $0xFFFFFFFE, v8;
	[tilespmem:s22+$0xFFFFFFD0] =	vst v5;
	v5 =	vmul.f32 v10, v4;
	v4 =	vmul.f32 v1, v4;
	v18 =	vld [tilespmem:s22+$0xC0]  }
0x283: {  	v8 =	vbroadcast v8, $0x0;
	[tilespmem:s22+$0xFFFFFFE0] =	vst v6;
	v19 =	vmul.f32 v11, v3;
	v20 =	vld [tilespmem:s22+$0xD0]  }
.Ltmp4:
0x284: {  	[tilespmem:s22+$0xFFFFFFF0] =	vst v5;
	v9 =	vmul.f32 v16, v3;
	v6 =	vld [tilespmem:s22+$0xE0];
	(pc) =	sbr.rel @p0 .LBB2_10-.Ltmp4, $4  }
0x285: {  	v16 =	vmul.f32 v1, v2;
	[tilespmem:s21+$0xFFFFFFF0] =	vst v4;
	v10 =	vmul.f32 v7, v3;
	v7 =	vld [tilespmem:s22+$0xF0]  }
0x286: {  	v5 =	vld.idx.msk [tilespmem:v14+s17+$0x0], $0xffff;
	[tilespmem:s22+$0xFFFFFF70] =	vst v12;
	v11 =	vmul.f32 v17, v3  }
0x287: {  	v2 =	vld.idx.msk [tilespmem:v13+s17+$0x0], $0xffff;
	[tilespmem:s21+$0xFFFFFFE0] =	vst v16;
	v12 =	vmul.f32 v18, v3  }
0x288: {  	s23 =	sadd.s32 $0x4, s23;
	v4 =	vld.idx.msk [tilespmem:v15+s17+$0x0], $0xffff;
	[tilespmem:s22+$0x80] =	vst v19;
	v13 =	vmul.f32 v20, v3  }
0x289: {  	_ =	sdelay $0x3  }
0x28a: {  	v8 =	vld.idx.msk [tilespmem:v8+s17+$0x0], $0xffff;
	[tilespmem:s13+$0x90] =	vst v9;
	s22 =	sadd.s32 $0x200, s22  }
0x28b: {  	[tilespmem:s13+$0xA0] =	vst v10;
	v17 =	vld [tilespmem:s22+$0x0]  }
0x28c: {  	[tilespmem:s13+$0xB0] =	vst v11;
	v18 =	vld [tilespmem:s22+$0x10]  }
0x28d: {  	v6 =	vmul.f32 v6, v3;
	[tilespmem:s13+$0xC0] =	vst v12;
	v19 =	vld [tilespmem:s22+$0x20]  }
0x28e: {  	v7 =	vmul.f32 v7, v3;
	v20 =	vld [tilespmem:s22+$0x30];
	[tilespmem:s13+$0xD0] =	vst v13  }
0x28f: {  	v3 =	vmul.f32 v1, v3;
	v23 =	vld [tilespmem:s22+$0x50];
	[tilespmem:s13+$0xE0] =	vst v6  }
0x290: {  	v26 =	vld [tilespmem:s22+$0x70];
	[tilespmem:s13+$0xF0] =	vst v7;
	v22 =	vmul.f32 v17, v8  }
0x291: {  	v28 =	vld [tilespmem:s22+$0xFFFFFF00];
	[tilespmem:s21+$0x10] =	vst v3;
	v24 =	vmul.f32 v18, v8  }
0x292: {  	v29 =	vld [tilespmem:s22+$0xFFFFFF10];
	v3 =	vmul.f32 v19, v8;
	[tilespmem:s22+$0x0] =	vst v22  }
0x293: {  	v32 =	vld [tilespmem:s22+$0xFFFFFF30];
	v27 =	vmul.f32 v20, v8;
	[tilespmem:s22+$0x10] =	vst v24  }
0x294: {  	v21 =	vld [tilespmem:s22+$0x40];
	v30 =	vmul.f32 v23, v8;
	[tilespmem:s22+$0x20] =	vst v3  }
0x295: {  	v33 =	vld [tilespmem:s22+$0xFFFFFF40];
	v6 =	vmul.f32 v26, v8;
	[tilespmem:s22+$0x30] =	vst v27  }
0x296: {  	v25 =	vld [tilespmem:s22+$0x60];
	v34 =	vmul.f32 v28, v2;
	[tilespmem:s22+$0x50] =	vst v30  }
0x297: {  	v35 =	vld [tilespmem:s22+$0xFFFFFF50];
	v36 =	vmul.f32 v29, v2;
	[tilespmem:s22+$0x70] =	vst v6  }
0x298: {  	v39 =	vmul.f32 v32, v2;
	[tilespmem:s22+$0xFFFFFF00] =	vst v34  }
0x299: {  	v37 =	vld [tilespmem:s22+$0xFFFFFF60];
	v3 =	vmul.f32 v21, v8;
	[tilespmem:s22+$0xFFFFFF10] =	vst v36  }
0x29a: {  	v31 =	vld [tilespmem:s22+$0xFFFFFF20];
	v7 =	vmul.f32 v33, v2;
	[tilespmem:s22+$0xFFFFFF30] =	vst v39  }
0x29b: {  	v42 =	vld [tilespmem:s22+$0xFFFFFFB0];
	[tilespmem:s22+$0x40] =	vst v3;
	v3 =	vmul.f32 v25, v8  }
0x29c: {  	v45 =	vld [tilespmem:s22+$0xFFFFFFD0];
	v41 =	vmul.f32 v35, v2;
	[tilespmem:s22+$0xFFFFFF40] =	vst v7  }
0x29d: {  	v47 =	vld [tilespmem:s22+$0xFFFFFFF0];
	[tilespmem:s22+$0x60] =	vst v3;
	v3 =	vmul.f32 v1, v8  }
0x29e: {  	s25 =	sadd.s32 $0x40, s21;
	v51 =	vld [tilespmem:s22+$0x80];
	v43 =	vmul.f32 v37, v2;
	[tilespmem:s22+$0xFFFFFF50] =	vst v41  }
0x29f: {  	v56 =	vld [tilespmem:s22+$0xB0];
	[tilespmem:s25+$0x0] =	vst v3;
	v3 =	vmul.f32 v31, v2  }
0x2a0: {  	v60 =	vld [tilespmem:s22+$0xE0];
	v48 =	vmul.f32 v42, v4;
	[tilespmem:s22+$0xFFFFFF60] =	vst v43  }
0x2a1: {  	v50 =	vmul.f32 v45, v4;
	[tilespmem:s22+$0xFFFFFF20] =	vst v3;
	v3 =	vld [tilespmem:s22+$0xFFFFFFA0]  }
0x2a2: {  	v40 =	vld [tilespmem:s22+$0xFFFFFF90];
	v53 =	vmul.f32 v47, v4;
	[tilespmem:s22+$0xFFFFFFB0] =	vst v48  }
0x2a3: {  	v44 =	vld [tilespmem:s22+$0xFFFFFFC0];
	v58 =	vmul.f32 v51, v5;
	[tilespmem:s22+$0xFFFFFFD0] =	vst v50  }
0x2a4: {  	v38 =	vld [tilespmem:s22+$0xFFFFFF80];
	v62 =	vmul.f32 v56, v5;
	[tilespmem:s22+$0xFFFFFFF0] =	vst v53  }
0x2a5: {  	v46 =	vld [tilespmem:s22+$0xFFFFFFE0];
	v63 =	vmul.f32 v60, v5;
	[tilespmem:s22+$0x80] =	vst v58  }
0x2a6: {  	[tilespmem:s22+$0xB0] =	vst v62;
	v3 =	vmul.f32 v3, v4  }
0x2a7: {  	v49 =	vld [tilespmem:s22+$0xFFFFFF70];
	v6 =	vmul.f32 v40, v4;
	[tilespmem:s22+$0xE0] =	vst v63  }
0x2a8: {  	[tilespmem:s22+$0xFFFFFFA0] =	vst v3;
	v3 =	vmul.f32 v44, v4  }
0x2a9: {  	v52 =	vld [tilespmem:s22+$0x90];
	[tilespmem:s22+$0xFFFFFF90] =	vst v6;
	v8 =	vmul.f32 v38, v4  }
0x2aa: {  	v54 =	vld [tilespmem:s22+$0xA0];
	[tilespmem:s22+$0xFFFFFFC0] =	vst v3;
	v3 =	vmul.f32 v46, v4  }
0x2ab: {  	v57 =	vld [tilespmem:s22+$0xC0];
	v55 =	vmul.f32 v1, v4;
	[tilespmem:s22+$0xFFFFFF80] =	vst v8  }
0x2ac: {  	v59 =	vld [tilespmem:s22+$0xD0];
	[tilespmem:s22+$0xFFFFFFE0] =	vst v3;
	v3 =	vmul.f32 v49, v2  }
0x2ad: {  	v61 =	vld [tilespmem:s22+$0xF0];
	v2 =	vmul.f32 v1, v2;
	[tilespmem:s25+$0xFFFFFFF0] =	vst v55  }
0x2ae: {  	[tilespmem:s22+$0xFFFFFF70] =	vst v3;
	v3 =	vmul.f32 v52, v5  }
0x2af: {  	[tilespmem:s25+$0xFFFFFFE0] =	vst v2;
	v2 =	vmul.f32 v54, v5  }
0x2b0: {  	[tilespmem:s22+$0x90] =	vst v3;
	v3 =	vmul.f32 v57, v5  }
0x2b1: {  	[tilespmem:s22+$0xA0] =	vst v2;
	v2 =	vmul.f32 v59, v5  }
0x2b2: {  	[tilespmem:s22+$0xC0] =	vst v3;
	v3 =	vmul.f32 v61, v5  }
0x2b3: {  	[tilespmem:s22+$0xD0] =	vst v2;
	v2 =	vmul.f32 v1, v5  }
0x2b4: {  	[tilespmem:s22+$0xF0] =	vst v3  }
0x2b5: {  	[tilespmem:s25+$0x10] =	vst v2  }
0x2b6: {  	[spmem:s2] =	stream.indirect.scatter.add.f32 [tilespmem:s11], [sflag:$0x3], $0x80, s18, s14, $0xb8;
	[tilespmem:$0x1F460] =	vst v63  }
0x2b7: {  	_ =	swait.ge [sflag:s9], $0x2800  }
0x2b8: {  	[sflag:s9] =	ssyncset.done $0x0  }
0x2b9: {  	[sflag:s9] =	ssyncadd.s32 $0xFFFFD800  }
0x2ba: {  	[spmem:s3] =	stream.indirect.scatter.add.f32 [tilespmem:s12], [sflag:$0x3], $0x10, s18, s14, $0xb8;
	[tilespmem:$0x1F460] =	vst v63  }
0x2bb: {  	_ =	swait.ge [sflag:s9], $0x500  }
0x2bc: {  	[sflag:s9] =	ssyncset.done $0x0  }
0x2bd: {  	s26 =	stileid.u32;
	[sflag:s9] =	ssyncadd.s32 $0xFFFFFB00  }
0x2be: {  	s13 =	sshll.u32 s26, $0x6;
	[bflag:$0x0] =	sbarrier.arrive $0xFFFF  }
0x2bf: {  	s13 =	sor.u32 $0x1C03, s13;
	s28 =	rddreg [dreg:$0xd]  }
0x2c0: {  	[hbm:s28], [sflag:s13] =	dma.local [spmem:s5], $0x2800  }
0x2c1: {  	_ =	swait.ge [sflag:s9], $0x2800  }
0x2c2: {  	[sflag:s9] =	ssyncset.done $0x0  }
0x2c3: {  	s29 =	rddreg [dreg:$0x11];
	[sflag:s9] =	ssyncadd.s32 $0xFFFFD800  }
0x2c4: {  	[hbm:s29], [sflag:s13] =	dma.local [spmem:s8], $0x500  }
0x2c5: {  	_ =	swait.ge [sflag:s9], $0x500  }
0x2c6: {  	s20 =	sadd.s32 $0x1, s20;
	s30 =	rddreg [dreg:$0x9]  }
0x2c7: {  	p0 =	sne.s32 s20, s30  }
.Ltmp5:
0x2c8: {  	_ = 	snop;
	(pc) =	sbr.rel @p0 .LBB2_1-.Ltmp5, $3  }
0x2c9: {  	_ =	sdelay $0x1  }
0x2ca: {  	[sflag:s9] =	ssyncset.done $0x0  }
0x2cb: {  	[sflag:s9] =	ssyncadd.s32 $0xFFFFFB00  }
0x2cc: {  	_ =	sfence.sel $0x180000  }
0x2cd: {  	[bflag:$0x0] =	sbarrier.arrive $0xFFFF  }
0x2ce: {  	_ =	strace $0x90000047  }
0x2cf: {  	s0 =	stileid.u32;
	[bflag:$0x2] =	sbarrier.arrive $0xFFFF  }
0x2d0: {  	p0 =	sne.s32 s0, $0x0;
	s0 =	rddreg [dreg:$0x4]  }
0x2d1: {  	s0 =	sadd.s32 @!p0 $0x100000, s0  }
0x2d2: {  	[sflag:s0] =	ssyncadd.tile.s32 @!p0 $0x1;
	_ =	shalt  }
.Lfunc_end2:
_tile_overlayer_lowered:
.L_overlay_start_2:
0x2d3: {  	(tag) =	ssettag $0x2  }
0x2d4: {  	s0 =	rddreg [dreg:$0x0];
	s2 =	stileid.u32  }
0x2d5: {  	s1 =	rddreg [dreg:$0x1];
	p0 =	sne.s32 s2, $0x0  }
0x2d6: {  	s3 =	rddreg [dreg:$0x2];
	[bflag:$0x3] =	sbarrier.arrive $0xFFFF;
	s2 =	simm.s32 @!p0 $0x1C03  }
0x2d7: {  	[timem:s3], [sflag:s2] =	dma.local @!p0 [hbm:s0], s1  }
0x2d8: {  	s0 =	simm.s32 @!p0 $0x3  }
0x2d9: {  	_ =	swait.ge @!p0 [sflag:s0], s1  }
0x2da: {  	s1 =	ssub.s32 @!p0 $0x0, s1;
	[sflag:s0] =	ssyncset.done @!p0 $0x0  }
0x2db: {  	[sflag:s0] =	ssyncadd.s32 @!p0 s1  }
0x2dc: {  	[bflag:$0x3] =	sbarrier.arrive $0xFFFF  }
0x2dd: {  	_ =	shalt  }

</sc_bundles>
